<compile_context>
chip_gen: v7x
topology: tpu7x:2x2x1
jax: 0.10.2.dev20260603
libtpu: 0.0.44.dev20260713+nightly
codegen_flags: <defaults>
</compile_context>

<pallas_src>
import functools

import jax
import jax.numpy as jnp
from jax import lax
from jax.experimental import pallas as pl
from jax.experimental.pallas import tpu as pltpu
from jax.experimental.pallas import tpu_sc as plsc

VOCAB = 100000
DIM = 128
NTOK = 4096
TW = 50
B = NTOK * TW

_info = plsc.get_sparse_core_info()
NC = _info.num_cores
NS = _info.num_subcores
NW = NC * NS
RPW = NTOK // NW
BPW = B // NW
CR = 4
CH = CR * TW
NCH = RPW // CR
NBUF = 4
LAG = 3

_mesh = plsc.VectorSubcoreMesh(core_axis_name="c", subcore_axis_name="s")


@functools.partial(
    pl.kernel,
    mesh=_mesh,
    out_type=jax.ShapeDtypeStruct((B, DIM), jnp.float32),
    scratch_types=[
        pltpu.VMEM((RPW, TW), jnp.int32),
        pltpu.VMEM((NBUF, CH, DIM), jnp.float32),
    ]
    + [pltpu.SemaphoreType.DMA] * (2 * NBUF),
)
def _embed_lookup(tok_hbm, table_hbm, out_hbm, idx_v, rows_v, *sems):
    gsems = sems[:NBUF]
    ssems = sems[NBUF:]
    wid = lax.axis_index("s") * NC + lax.axis_index("c")
    base = wid * BPW
    pltpu.sync_copy(tok_hbm.at[pl.ds(wid * RPW, RPW)], idx_v)

    def gather(j, b):
        for q in range(CR):
            pltpu.async_copy(
                table_hbm.at[idx_v.at[j * CR + q]],
                rows_v.at[b, pl.ds(q * TW, TW)],
                gsems[b],
            )

    def wait_gather(b):
        pltpu.make_async_copy(
            table_hbm.at[pl.ds(0, CH)], rows_v.at[b], gsems[b]
        ).wait()

    def store(j, b):
        pltpu.async_copy(
            rows_v.at[b], out_hbm.at[pl.ds(base + j * CH, CH)], ssems[b]
        )

    def wait_store(b):
        pltpu.make_async_copy(
            rows_v.at[b], out_hbm.at[pl.ds(base, CH)], ssems[b]
        ).wait()

    for b in range(LAG):
        gather(b, b)

    for t in range(NBUF):
        wait_gather(t)
        store(t, t)
        b2 = (t + LAG) % NBUF
        if t >= NBUF - LAG:
            wait_store(b2)
        gather(t + LAG, b2)

    def outer(t0, carry):
        tb = t0 * NBUF
        for db in range(NBUF):
            t = tb + db
            wait_gather(db)
            store(t, db)
            b2 = (db + LAG) % NBUF
            wait_store(b2)
            gather(t + LAG, b2)
        return carry

    lax.fori_loop(1, NCH // NBUF - 1, outer, 0)

    for t in range(NCH - NBUF, NCH):
        db = t % NBUF
        wait_gather(db)
        store(t, db)
        if t + LAG < NCH:
            b2 = (db + LAG) % NBUF
            wait_store(b2)
            gather(t + LAG, b2)

    for b in range(NBUF):
        wait_store(b)


def kernel(tokens, embed_table):
    return _embed_lookup(tokens.astype(jnp.int32), embed_table)

# --- scband reference (transcript-rebuilt; emitter-appended) ---
"""Pipeline reference for scband-embed-37014028157108 (READ-ONLY COPY).

The authoritative reference and input builder live on the scoring server;
editing this copy changes nothing except your own understanding.
"""

import jax, jax.numpy as jnp
import numpy as np

VOCAB = 100000
DIM = 128

def setup_inputs(seed: int = 0) -> dict:
    key = jax.random.key(seed)
    k1, k2 = jax.random.split(key)
    tokens = jax.random.randint(k1, (4096, 50), 0, VOCAB, dtype=jnp.int64 if jax.config.jax_enable_x64 else jnp.int32)
    embed_table = jax.random.normal(k2, (VOCAB, DIM), dtype=jnp.float32)
    return {"tokens": tokens, "embed_table": embed_table}

def reference(tokens, embed_table):
    # Embed.forward with vectors=None: self.embed(tokens.view(-1).long())
    flat = tokens.reshape(-1).astype(jnp.int32)
    embeds = jnp.take(embed_table, flat, axis=0)
    return embeds

if __name__ == "__main__":
    import jax
    _d = setup_inputs()
    print(jax.jit(kernel)(*tuple(_d.values())))

</pallas_src>

<mosaic_0001>
#map = affine_map<(d0, d1) -> (0, 0)>
module attributes {stable_mosaic.version = 14 : i64} {
  func.func @_embed_lookup(%arg0: i32, %arg1: i32, %arg2: memref<4096x50xi32, #tpu.memory_space<hbm>>, %arg3: memref<100000x128xf32, #tpu.memory_space<hbm>>, %arg4: memref<204800x128xf32, #tpu.memory_space<hbm>>, %arg5: memref<128x50xi32, #tpu.memory_space<vmem>>, %arg6: memref<4x200x128xf32, #tpu.memory_space<vmem>>, %arg7: memref<!tpu.dma_semaphore, #tpu.memory_space<semaphore_mem>>, %arg8: memref<!tpu.dma_semaphore, #tpu.memory_space<semaphore_mem>>, %arg9: memref<!tpu.dma_semaphore, #tpu.memory_space<semaphore_mem>>, %arg10: memref<!tpu.dma_semaphore, #tpu.memory_space<semaphore_mem>>, %arg11: memref<!tpu.dma_semaphore, #tpu.memory_space<semaphore_mem>>, %arg12: memref<!tpu.dma_semaphore, #tpu.memory_space<semaphore_mem>>, %arg13: memref<!tpu.dma_semaphore, #tpu.memory_space<semaphore_mem>>, %arg14: memref<!tpu.dma_semaphore, #tpu.memory_space<semaphore_mem>>) attributes {dimension_semantics = [#tpu.dimension_semantics<core_parallel>, #tpu.dimension_semantics<subcore_parallel>], iteration_bounds = array<i64: 2, 16>, scalar_prefetch = 0 : i64, scratch_operands = 10 : i64, tpu.core_type = #tpu.core_type<sc_vector_subcore>, window_params = [{transform_indices = #map}, {transform_indices = #map}, {transform_indices = #map}]} {
    %mul3A = arith.constant 2 : i32
    %mul3A_0 = arith.muli %arg1, %mul3A : i32
    %add3A = arith.addi %mul3A_0, %arg0 : i32
    %mul3A_1 = arith.constant 6400 : i32
    %mul3A_2 = arith.muli %add3A, %mul3A_1 : i32
    %mul3A_3 = arith.constant 128 : i32
    %mul3A_4 = arith.muli %add3A, %mul3A_3 : i32
    "tpu.region"() ({
      %run_scoped3A = tpu.sem_alloc : memref<!tpu.dma_semaphore, #tpu.memory_space<semaphore_mem>>
      %dma_start3A_736 = arith.constant 0 : i32
      %dma_start3A_737 = tpu.memref_slice %arg2[%mul3A_4, %dma_start3A_736] : memref<4096x50xi32, #tpu.memory_space<hbm>> -> memref<128x50xi32, #tpu.memory_space<hbm>>
      %dma_start3A_738 = arith.constant 0 : i32
      %dma_start3A_739 = tpu.memref_slice %arg2[%mul3A_4, %dma_start3A_738] : memref<4096x50xi32, #tpu.memory_space<hbm>> -> memref<128x50xi32, #tpu.memory_space<hbm>>
      tpu.enqueue_dma source(%dma_start3A_739 : memref<128x50xi32, #tpu.memory_space<hbm>>) target(%arg5 : memref<128x50xi32, #tpu.memory_space<vmem>>) target_semaphore(%run_scoped3A : memref<!tpu.dma_semaphore, #tpu.memory_space<semaphore_mem>>)
      %dma_wait3A_740 = arith.constant 0 : i32
      %dma_wait3A_741 = tpu.memref_slice %arg2[%mul3A_4, %dma_wait3A_740] : memref<4096x50xi32, #tpu.memory_space<hbm>> -> memref<128x50xi32, #tpu.memory_space<hbm>>
      %dma_wait3A_742 = arith.constant 0 : i32
      %dma_wait3A_743 = tpu.memref_slice %arg2[%mul3A_4, %dma_wait3A_742] : memref<4096x50xi32, #tpu.memory_space<hbm>> -> memref<128x50xi32, #tpu.memory_space<hbm>>
      tpu.wait_dma2 semaphore(%run_scoped3A : memref<!tpu.dma_semaphore, #tpu.memory_space<semaphore_mem>>) src(%dma_wait3A_743 : memref<128x50xi32, #tpu.memory_space<hbm>>) dst(%arg5 : memref<128x50xi32, #tpu.memory_space<vmem>>)
      tpu.yield
    }) : () -> ()
    %dma_start3A = arith.constant 0 : i32
    %dma_start3A_5 = arith.constant 0 : i32
    %dma_start3A_6 = arith.constant 0 : i32
    %dma_start3A_7 = arith.constant 0 : i32
    %dma_start3A_8 = tpu.memref_slice %arg6[%dma_start3A_5, %dma_start3A_6, %dma_start3A_7] : memref<4x200x128xf32, #tpu.memory_space<vmem>> -> memref<1x50x128xf32, #tpu.memory_space<vmem>>
    %dma_start3A_9 = tpu.memref_squeeze %dma_start3A_8 : memref<1x50x128xf32, #tpu.memory_space<vmem>> -> memref<50x128xf32, #tpu.memory_space<vmem>>
    %dma_start3A_10 = arith.constant 0 : i32
    %dma_start3A_11 = tpu.memref_slice %arg5[%dma_start3A, %dma_start3A_10] : memref<128x50xi32, #tpu.memory_space<vmem>> -> memref<1x50xi32, #tpu.memory_space<vmem>>
    %dma_start3A_12 = tpu.memref_squeeze %dma_start3A_11 : memref<1x50xi32, #tpu.memory_space<vmem>> -> memref<50xi32, #tpu.memory_space<vmem>>
    %dma_start3A_13 = arith.constant 0 : i32
    %dma_start3A_14 = arith.constant 0 : i32
    %dma_start3A_15 = tpu.memref_slice %arg3[%dma_start3A_13, %dma_start3A_14] : memref<100000x128xf32, #tpu.memory_space<hbm>> -> memref<100000x128xf32, #tpu.memory_space<hbm>>
    tpu.enqueue_indirect_dma source(%dma_start3A_15 : memref<100000x128xf32, #tpu.memory_space<hbm>>) target(%dma_start3A_9 : memref<50x128xf32, #tpu.memory_space<vmem>>) offsets(%dma_start3A_12 : memref<50xi32, #tpu.memory_space<vmem>>) semaphore(%arg7 : memref<!tpu.dma_semaphore, #tpu.memory_space<semaphore_mem>>)
    %dma_start3A_16 = arith.constant 1 : i32
    %dma_start3A_17 = arith.constant 0 : i32
    %dma_start3A_18 = arith.constant 50 : i32
    %dma_start3A_19 = arith.constant 0 : i32
    %dma_start3A_20 = tpu.memref_slice %arg6[%dma_start3A_17, %dma_start3A_18, %dma_start3A_19] : memref<4x200x128xf32, #tpu.memory_space<vmem>> -> memref<1x50x128xf32, #tpu.memory_space<vmem>>
    %dma_start3A_21 = tpu.memref_squeeze %dma_start3A_20 : memref<1x50x128xf32, #tpu.memory_space<vmem>> -> memref<50x128xf32, #tpu.memory_space<vmem>>
    %dma_start3A_22 = arith.constant 0 : i32
    %dma_start3A_23 = tpu.memref_slice %arg5[%dma_start3A_16, %dma_start3A_22] : memref<128x50xi32, #tpu.memory_space<vmem>> -> memref<1x50xi32, #tpu.memory_space<vmem>>
    %dma_start3A_24 = tpu.memref_squeeze %dma_start3A_23 : memref<1x50xi32, #tpu.memory_space<vmem>> -> memref<50xi32, #tpu.memory_space<vmem>>
    %dma_start3A_25 = arith.constant 0 : i32
    %dma_start3A_26 = arith.constant 0 : i32
    %dma_start3A_27 = tpu.memref_slice %arg3[%dma_start3A_25, %dma_start3A_26] : memref<100000x128xf32, #tpu.memory_space<hbm>> -> memref<100000x128xf32, #tpu.memory_space<hbm>>
    tpu.enqueue_indirect_dma source(%dma_start3A_27 : memref<100000x128xf32, #tpu.memory_space<hbm>>) target(%dma_start3A_21 : memref<50x128xf32, #tpu.memory_space<vmem>>) offsets(%dma_start3A_24 : memref<50xi32, #tpu.memory_space<vmem>>) semaphore(%arg7 : memref<!tpu.dma_semaphore, #tpu.memory_space<semaphore_mem>>)
    %dma_start3A_28 = arith.constant 2 : i32
    %dma_start3A_29 = arith.constant 0 : i32
    %dma_start3A_30 = arith.constant 100 : i32
    %dma_start3A_31 = arith.constant 0 : i32
    %dma_start3A_32 = tpu.memref_slice %arg6[%dma_start3A_29, %dma_start3A_30, %dma_start3A_31] : memref<4x200x128xf32, #tpu.memory_space<vmem>> -> memref<1x50x128xf32, #tpu.memory_space<vmem>>
    %dma_start3A_33 = tpu.memref_squeeze %dma_start3A_32 : memref<1x50x128xf32, #tpu.memory_space<vmem>> -> memref<50x128xf32, #tpu.memory_space<vmem>>
    %dma_start3A_34 = arith.constant 0 : i32
    %dma_start3A_35 = tpu.memref_slice %arg5[%dma_start3A_28, %dma_start3A_34] : memref<128x50xi32, #tpu.memory_space<vmem>> -> memref<1x50xi32, #tpu.memory_space<vmem>>
    %dma_start3A_36 = tpu.memref_squeeze %dma_start3A_35 : memref<1x50xi32, #tpu.memory_space<vmem>> -> memref<50xi32, #tpu.memory_space<vmem>>
    %dma_start3A_37 = arith.constant 0 : i32
    %dma_start3A_38 = arith.constant 0 : i32
    %dma_start3A_39 = tpu.memref_slice %arg3[%dma_start3A_37, %dma_start3A_38] : memref<100000x128xf32, #tpu.memory_space<hbm>> -> memref<100000x128xf32, #tpu.memory_space<hbm>>
    tpu.enqueue_indirect_dma source(%dma_start3A_39 : memref<100000x128xf32, #tpu.memory_space<hbm>>) target(%dma_start3A_33 : memref<50x128xf32, #tpu.memory_space<vmem>>) offsets(%dma_start3A_36 : memref<50xi32, #tpu.memory_space<vmem>>) semaphore(%arg7 : memref<!tpu.dma_semaphore, #tpu.memory_space<semaphore_mem>>)
    %dma_start3A_40 = arith.constant 3 : i32
    %dma_start3A_41 = arith.constant 0 : i32
    %dma_start3A_42 = arith.constant 150 : i32
    %dma_start3A_43 = arith.constant 0 : i32
    %dma_start3A_44 = tpu.memref_slice %arg6[%dma_start3A_41, %dma_start3A_42, %dma_start3A_43] : memref<4x200x128xf32, #tpu.memory_space<vmem>> -> memref<1x50x128xf32, #tpu.memory_space<vmem>>
    %dma_start3A_45 = tpu.memref_squeeze %dma_start3A_44 : memref<1x50x128xf32, #tpu.memory_space<vmem>> -> memref<50x128xf32, #tpu.memory_space<vmem>>
    %dma_start3A_46 = arith.constant 0 : i32
    %dma_start3A_47 = tpu.memref_slice %arg5[%dma_start3A_40, %dma_start3A_46] : memref<128x50xi32, #tpu.memory_space<vmem>> -> memref<1x50xi32, #tpu.memory_space<vmem>>
    %dma_start3A_48 = tpu.memref_squeeze %dma_start3A_47 : memref<1x50xi32, #tpu.memory_space<vmem>> -> memref<50xi32, #tpu.memory_space<vmem>>
    %dma_start3A_49 = arith.constant 0 : i32
    %dma_start3A_50 = arith.constant 0 : i32
    %dma_start3A_51 = tpu.memref_slice %arg3[%dma_start3A_49, %dma_start3A_50] : memref<100000x128xf32, #tpu.memory_space<hbm>> -> memref<100000x128xf32, #tpu.memory_space<hbm>>
    tpu.enqueue_indirect_dma source(%dma_start3A_51 : memref<100000x128xf32, #tpu.memory_space<hbm>>) target(%dma_start3A_45 : memref<50x128xf32, #tpu.memory_space<vmem>>) offsets(%dma_start3A_48 : memref<50xi32, #tpu.memory_space<vmem>>) semaphore(%arg7 : memref<!tpu.dma_semaphore, #tpu.memory_space<semaphore_mem>>)
    %dma_start3A_52 = arith.constant 4 : i32
    %dma_start3A_53 = arith.constant 1 : i32
    %dma_start3A_54 = arith.constant 0 : i32
    %dma_start3A_55 = arith.constant 0 : i32
    %dma_start3A_56 = tpu.memref_slice %arg6[%dma_start3A_53, %dma_start3A_54, %dma_start3A_55] : memref<4x200x128xf32, #tpu.memory_space<vmem>> -> memref<1x50x128xf32, #tpu.memory_space<vmem>>
    %dma_start3A_57 = tpu.memref_squeeze %dma_start3A_56 : memref<1x50x128xf32, #tpu.memory_space<vmem>> -> memref<50x128xf32, #tpu.memory_space<vmem>>
    %dma_start3A_58 = arith.constant 0 : i32
    %dma_start3A_59 = tpu.memref_slice %arg5[%dma_start3A_52, %dma_start3A_58] : memref<128x50xi32, #tpu.memory_space<vmem>> -> memref<1x50xi32, #tpu.memory_space<vmem>>
    %dma_start3A_60 = tpu.memref_squeeze %dma_start3A_59 : memref<1x50xi32, #tpu.memory_space<vmem>> -> memref<50xi32, #tpu.memory_space<vmem>>
    %dma_start3A_61 = arith.constant 0 : i32
    %dma_start3A_62 = arith.constant 0 : i32
    %dma_start3A_63 = tpu.memref_slice %arg3[%dma_start3A_61, %dma_start3A_62] : memref<100000x128xf32, #tpu.memory_space<hbm>> -> memref<100000x128xf32, #tpu.memory_space<hbm>>
    tpu.enqueue_indirect_dma source(%dma_start3A_63 : memref<100000x128xf32, #tpu.memory_space<hbm>>) target(%dma_start3A_57 : memref<50x128xf32, #tpu.memory_space<vmem>>) offsets(%dma_start3A_60 : memref<50xi32, #tpu.memory_space<vmem>>) semaphore(%arg8 : memref<!tpu.dma_semaphore, #tpu.memory_space<semaphore_mem>>)
    %dma_start3A_64 = arith.constant 5 : i32
    %dma_start3A_65 = arith.constant 1 : i32
    %dma_start3A_66 = arith.constant 50 : i32
    %dma_start3A_67 = arith.constant 0 : i32
    %dma_start3A_68 = tpu.memref_slice %arg6[%dma_start3A_65, %dma_start3A_66, %dma_start3A_67] : memref<4x200x128xf32, #tpu.memory_space<vmem>> -> memref<1x50x128xf32, #tpu.memory_space<vmem>>
    %dma_start3A_69 = tpu.memref_squeeze %dma_start3A_68 : memref<1x50x128xf32, #tpu.memory_space<vmem>> -> memref<50x128xf32, #tpu.memory_space<vmem>>
    %dma_start3A_70 = arith.constant 0 : i32
    %dma_start3A_71 = tpu.memref_slice %arg5[%dma_start3A_64, %dma_start3A_70] : memref<128x50xi32, #tpu.memory_space<vmem>> -> memref<1x50xi32, #tpu.memory_space<vmem>>
    %dma_start3A_72 = tpu.memref_squeeze %dma_start3A_71 : memref<1x50xi32, #tpu.memory_space<vmem>> -> memref<50xi32, #tpu.memory_space<vmem>>
    %dma_start3A_73 = arith.constant 0 : i32
    %dma_start3A_74 = arith.constant 0 : i32
    %dma_start3A_75 = tpu.memref_slice %arg3[%dma_start3A_73, %dma_start3A_74] : memref<100000x128xf32, #tpu.memory_space<hbm>> -> memref<100000x128xf32, #tpu.memory_space<hbm>>
    tpu.enqueue_indirect_dma source(%dma_start3A_75 : memref<100000x128xf32, #tpu.memory_space<hbm>>) target(%dma_start3A_69 : memref<50x128xf32, #tpu.memory_space<vmem>>) offsets(%dma_start3A_72 : memref<50xi32, #tpu.memory_space<vmem>>) semaphore(%arg8 : memref<!tpu.dma_semaphore, #tpu.memory_space<semaphore_mem>>)
    %dma_start3A_76 = arith.constant 6 : i32
    %dma_start3A_77 = arith.constant 1 : i32
    %dma_start3A_78 = arith.constant 100 : i32
    %dma_start3A_79 = arith.constant 0 : i32
    %dma_start3A_80 = tpu.memref_slice %arg6[%dma_start3A_77, %dma_start3A_78, %dma_start3A_79] : memref<4x200x128xf32, #tpu.memory_space<vmem>> -> memref<1x50x128xf32, #tpu.memory_space<vmem>>
    %dma_start3A_81 = tpu.memref_squeeze %dma_start3A_80 : memref<1x50x128xf32, #tpu.memory_space<vmem>> -> memref<50x128xf32, #tpu.memory_space<vmem>>
    %dma_start3A_82 = arith.constant 0 : i32
    %dma_start3A_83 = tpu.memref_slice %arg5[%dma_start3A_76, %dma_start3A_82] : memref<128x50xi32, #tpu.memory_space<vmem>> -> memref<1x50xi32, #tpu.memory_space<vmem>>
    %dma_start3A_84 = tpu.memref_squeeze %dma_start3A_83 : memref<1x50xi32, #tpu.memory_space<vmem>> -> memref<50xi32, #tpu.memory_space<vmem>>
    %dma_start3A_85 = arith.constant 0 : i32
    %dma_start3A_86 = arith.constant 0 : i32
    %dma_start3A_87 = tpu.memref_slice %arg3[%dma_start3A_85, %dma_start3A_86] : memref<100000x128xf32, #tpu.memory_space<hbm>> -> memref<100000x128xf32, #tpu.memory_space<hbm>>
    tpu.enqueue_indirect_dma source(%dma_start3A_87 : memref<100000x128xf32, #tpu.memory_space<hbm>>) target(%dma_start3A_81 : memref<50x128xf32, #tpu.memory_space<vmem>>) offsets(%dma_start3A_84 : memref<50xi32, #tpu.memory_space<vmem>>) semaphore(%arg8 : memref<!tpu.dma_semaphore, #tpu.memory_space<semaphore_mem>>)
    %dma_start3A_88 = arith.constant 7 : i32
    %dma_start3A_89 = arith.constant 1 : i32
    %dma_start3A_90 = arith.constant 150 : i32
    %dma_start3A_91 = arith.constant 0 : i32
    %dma_start3A_92 = tpu.memref_slice %arg6[%dma_start3A_89, %dma_start3A_90, %dma_start3A_91] : memref<4x200x128xf32, #tpu.memory_space<vmem>> -> memref<1x50x128xf32, #tpu.memory_space<vmem>>
    %dma_start3A_93 = tpu.memref_squeeze %dma_start3A_92 : memref<1x50x128xf32, #tpu.memory_space<vmem>> -> memref<50x128xf32, #tpu.memory_space<vmem>>
    %dma_start3A_94 = arith.constant 0 : i32
    %dma_start3A_95 = tpu.memref_slice %arg5[%dma_start3A_88, %dma_start3A_94] : memref<128x50xi32, #tpu.memory_space<vmem>> -> memref<1x50xi32, #tpu.memory_space<vmem>>
    %dma_start3A_96 = tpu.memref_squeeze %dma_start3A_95 : memref<1x50xi32, #tpu.memory_space<vmem>> -> memref<50xi32, #tpu.memory_space<vmem>>
    %dma_start3A_97 = arith.constant 0 : i32
    %dma_start3A_98 = arith.constant 0 : i32
    %dma_start3A_99 = tpu.memref_slice %arg3[%dma_start3A_97, %dma_start3A_98] : memref<100000x128xf32, #tpu.memory_space<hbm>> -> memref<100000x128xf32, #tpu.memory_space<hbm>>
    tpu.enqueue_indirect_dma source(%dma_start3A_99 : memref<100000x128xf32, #tpu.memory_space<hbm>>) target(%dma_start3A_93 : memref<50x128xf32, #tpu.memory_space<vmem>>) offsets(%dma_start3A_96 : memref<50xi32, #tpu.memory_space<vmem>>) semaphore(%arg8 : memref<!tpu.dma_semaphore, #tpu.memory_space<semaphore_mem>>)
    %dma_start3A_100 = arith.constant 8 : i32
    %dma_start3A_101 = arith.constant 2 : i32
    %dma_start3A_102 = arith.constant 0 : i32
    %dma_start3A_103 = arith.constant 0 : i32
    %dma_start3A_104 = tpu.memref_slice %arg6[%dma_start3A_101, %dma_start3A_102, %dma_start3A_103] : memref<4x200x128xf32, #tpu.memory_space<vmem>> -> memref<1x50x128xf32, #tpu.memory_space<vmem>>
    %dma_start3A_105 = tpu.memref_squeeze %dma_start3A_104 : memref<1x50x128xf32, #tpu.memory_space<vmem>> -> memref<50x128xf32, #tpu.memory_space<vmem>>
    %dma_start3A_106 = arith.constant 0 : i32
    %dma_start3A_107 = tpu.memref_slice %arg5[%dma_start3A_100, %dma_start3A_106] : memref<128x50xi32, #tpu.memory_space<vmem>> -> memref<1x50xi32, #tpu.memory_space<vmem>>
    %dma_start3A_108 = tpu.memref_squeeze %dma_start3A_107 : memref<1x50xi32, #tpu.memory_space<vmem>> -> memref<50xi32, #tpu.memory_space<vmem>>
    %dma_start3A_109 = arith.constant 0 : i32
    %dma_start3A_110 = arith.constant 0 : i32
    %dma_start3A_111 = tpu.memref_slice %arg3[%dma_start3A_109, %dma_start3A_110] : memref<100000x128xf32, #tpu.memory_space<hbm>> -> memref<100000x128xf32, #tpu.memory_space<hbm>>
    tpu.enqueue_indirect_dma source(%dma_start3A_111 : memref<100000x128xf32, #tpu.memory_space<hbm>>) target(%dma_start3A_105 : memref<50x128xf32, #tpu.memory_space<vmem>>) offsets(%dma_start3A_108 : memref<50xi32, #tpu.memory_space<vmem>>) semaphore(%arg9 : memref<!tpu.dma_semaphore, #tpu.memory_space<semaphore_mem>>)
    %dma_start3A_112 = arith.constant 9 : i32
    %dma_start3A_113 = arith.constant 2 : i32
    %dma_start3A_114 = arith.constant 50 : i32
    %dma_start3A_115 = arith.constant 0 : i32
    %dma_start3A_116 = tpu.memref_slice %arg6[%dma_start3A_113, %dma_start3A_114, %dma_start3A_115] : memref<4x200x128xf32, #tpu.memory_space<vmem>> -> memref<1x50x128xf32, #tpu.memory_space<vmem>>
    %dma_start3A_117 = tpu.memref_squeeze %dma_start3A_116 : memref<1x50x128xf32, #tpu.memory_space<vmem>> -> memref<50x128xf32, #tpu.memory_space<vmem>>
    %dma_start3A_118 = arith.constant 0 : i32
    %dma_start3A_119 = tpu.memref_slice %arg5[%dma_start3A_112, %dma_start3A_118] : memref<128x50xi32, #tpu.memory_space<vmem>> -> memref<1x50xi32, #tpu.memory_space<vmem>>
    %dma_start3A_120 = tpu.memref_squeeze %dma_start3A_119 : memref<1x50xi32, #tpu.memory_space<vmem>> -> memref<50xi32, #tpu.memory_space<vmem>>
    %dma_start3A_121 = arith.constant 0 : i32
    %dma_start3A_122 = arith.constant 0 : i32
    %dma_start3A_123 = tpu.memref_slice %arg3[%dma_start3A_121, %dma_start3A_122] : memref<100000x128xf32, #tpu.memory_space<hbm>> -> memref<100000x128xf32, #tpu.memory_space<hbm>>
    tpu.enqueue_indirect_dma source(%dma_start3A_123 : memref<100000x128xf32, #tpu.memory_space<hbm>>) target(%dma_start3A_117 : memref<50x128xf32, #tpu.memory_space<vmem>>) offsets(%dma_start3A_120 : memref<50xi32, #tpu.memory_space<vmem>>) semaphore(%arg9 : memref<!tpu.dma_semaphore, #tpu.memory_space<semaphore_mem>>)
    %dma_start3A_124 = arith.constant 10 : i32
    %dma_start3A_125 = arith.constant 2 : i32
    %dma_start3A_126 = arith.constant 100 : i32
    %dma_start3A_127 = arith.constant 0 : i32
    %dma_start3A_128 = tpu.memref_slice %arg6[%dma_start3A_125, %dma_start3A_126, %dma_start3A_127] : memref<4x200x128xf32, #tpu.memory_space<vmem>> -> memref<1x50x128xf32, #tpu.memory_space<vmem>>
    %dma_start3A_129 = tpu.memref_squeeze %dma_start3A_128 : memref<1x50x128xf32, #tpu.memory_space<vmem>> -> memref<50x128xf32, #tpu.memory_space<vmem>>
    %dma_start3A_130 = arith.constant 0 : i32
    %dma_start3A_131 = tpu.memref_slice %arg5[%dma_start3A_124, %dma_start3A_130] : memref<128x50xi32, #tpu.memory_space<vmem>> -> memref<1x50xi32, #tpu.memory_space<vmem>>
    %dma_start3A_132 = tpu.memref_squeeze %dma_start3A_131 : memref<1x50xi32, #tpu.memory_space<vmem>> -> memref<50xi32, #tpu.memory_space<vmem>>
    %dma_start3A_133 = arith.constant 0 : i32
    %dma_start3A_134 = arith.constant 0 : i32
    %dma_start3A_135 = tpu.memref_slice %arg3[%dma_start3A_133, %dma_start3A_134] : memref<100000x128xf32, #tpu.memory_space<hbm>> -> memref<100000x128xf32, #tpu.memory_space<hbm>>
    tpu.enqueue_indirect_dma source(%dma_start3A_135 : memref<100000x128xf32, #tpu.memory_space<hbm>>) target(%dma_start3A_129 : memref<50x128xf32, #tpu.memory_space<vmem>>) offsets(%dma_start3A_132 : memref<50xi32, #tpu.memory_space<vmem>>) semaphore(%arg9 : memref<!tpu.dma_semaphore, #tpu.memory_space<semaphore_mem>>)
    %dma_start3A_136 = arith.constant 11 : i32
    %dma_start3A_137 = arith.constant 2 : i32
    %dma_start3A_138 = arith.constant 150 : i32
    %dma_start3A_139 = arith.constant 0 : i32
    %dma_start3A_140 = tpu.memref_slice %arg6[%dma_start3A_137, %dma_start3A_138, %dma_start3A_139] : memref<4x200x128xf32, #tpu.memory_space<vmem>> -> memref<1x50x128xf32, #tpu.memory_space<vmem>>
    %dma_start3A_141 = tpu.memref_squeeze %dma_start3A_140 : memref<1x50x128xf32, #tpu.memory_space<vmem>> -> memref<50x128xf32, #tpu.memory_space<vmem>>
    %dma_start3A_142 = arith.constant 0 : i32
    %dma_start3A_143 = tpu.memref_slice %arg5[%dma_start3A_136, %dma_start3A_142] : memref<128x50xi32, #tpu.memory_space<vmem>> -> memref<1x50xi32, #tpu.memory_space<vmem>>
    %dma_start3A_144 = tpu.memref_squeeze %dma_start3A_143 : memref<1x50xi32, #tpu.memory_space<vmem>> -> memref<50xi32, #tpu.memory_space<vmem>>
    %dma_start3A_145 = arith.constant 0 : i32
    %dma_start3A_146 = arith.constant 0 : i32
    %dma_start3A_147 = tpu.memref_slice %arg3[%dma_start3A_145, %dma_start3A_146] : memref<100000x128xf32, #tpu.memory_space<hbm>> -> memref<100000x128xf32, #tpu.memory_space<hbm>>
    tpu.enqueue_indirect_dma source(%dma_start3A_147 : memref<100000x128xf32, #tpu.memory_space<hbm>>) target(%dma_start3A_141 : memref<50x128xf32, #tpu.memory_space<vmem>>) offsets(%dma_start3A_144 : memref<50xi32, #tpu.memory_space<vmem>>) semaphore(%arg9 : memref<!tpu.dma_semaphore, #tpu.memory_space<semaphore_mem>>)
    %dma_wait3A = arith.constant 0 : i32
    %dma_wait3A_148 = arith.constant 0 : i32
    %dma_wait3A_149 = arith.constant 0 : i32
    %dma_wait3A_150 = tpu.memref_slice %arg6[%dma_wait3A, %dma_wait3A_148, %dma_wait3A_149] : memref<4x200x128xf32, #tpu.memory_space<vmem>> -> memref<1x200x128xf32, #tpu.memory_space<vmem>>
    %dma_wait3A_151 = tpu.memref_squeeze %dma_wait3A_150 : memref<1x200x128xf32, #tpu.memory_space<vmem>> -> memref<200x128xf32, #tpu.memory_space<vmem>>
    %dma_wait3A_152 = arith.constant 0 : i32
    %dma_wait3A_153 = arith.constant 0 : i32
    %dma_wait3A_154 = tpu.memref_slice %arg3[%dma_wait3A_152, %dma_wait3A_153] : memref<100000x128xf32, #tpu.memory_space<hbm>> -> memref<200x128xf32, #tpu.memory_space<hbm>>
    %dma_wait3A_155 = arith.constant 0 : i32
    %dma_wait3A_156 = arith.constant 0 : i32
    %dma_wait3A_157 = tpu.memref_slice %arg6[%dma_wait3A, %dma_wait3A_155, %dma_wait3A_156] : memref<4x200x128xf32, #tpu.memory_space<vmem>> -> memref<1x200x128xf32, #tpu.memory_space<vmem>>
    %dma_wait3A_158 = tpu.memref_squeeze %dma_wait3A_157 : memref<1x200x128xf32, #tpu.memory_space<vmem>> -> memref<200x128xf32, #tpu.memory_space<vmem>>
    %dma_wait3A_159 = arith.constant 0 : i32
    %dma_wait3A_160 = arith.constant 0 : i32
    %dma_wait3A_161 = tpu.memref_slice %arg3[%dma_wait3A_159, %dma_wait3A_160] : memref<100000x128xf32, #tpu.memory_space<hbm>> -> memref<200x128xf32, #tpu.memory_space<hbm>>
    tpu.wait_dma2 semaphore(%arg7 : memref<!tpu.dma_semaphore, #tpu.memory_space<semaphore_mem>>) src(%dma_wait3A_161 : memref<200x128xf32, #tpu.memory_space<hbm>>) dst(%dma_wait3A_158 : memref<200x128xf32, #tpu.memory_space<vmem>>)
    %add3A_162 = arith.constant 0 : i32
    %add3A_163 = arith.addi %mul3A_2, %add3A_162 : i32
    %dma_start3A_164 = arith.constant 0 : i32
    %dma_start3A_165 = arith.constant 0 : i32
    %dma_start3A_166 = arith.constant 0 : i32
    %dma_start3A_167 = tpu.memref_slice %arg6[%dma_start3A_164, %dma_start3A_165, %dma_start3A_166] : memref<4x200x128xf32, #tpu.memory_space<vmem>> -> memref<1x200x128xf32, #tpu.memory_space<vmem>>
    %dma_start3A_168 = tpu.memref_squeeze %dma_start3A_167 : memref<1x200x128xf32, #tpu.memory_space<vmem>> -> memref<200x128xf32, #tpu.memory_space<vmem>>
    %dma_start3A_169 = arith.constant 0 : i32
    %dma_start3A_170 = tpu.memref_slice %arg4[%add3A_163, %dma_start3A_169] : memref<204800x128xf32, #tpu.memory_space<hbm>> -> memref<200x128xf32, #tpu.memory_space<hbm>>
    %dma_start3A_171 = arith.constant 0 : i32
    %dma_start3A_172 = tpu.memref_slice %arg4[%add3A_163, %dma_start3A_171] : memref<204800x128xf32, #tpu.memory_space<hbm>> -> memref<200x128xf32, #tpu.memory_space<hbm>>
    %dma_start3A_173 = arith.constant 0 : i32
    %dma_start3A_174 = arith.constant 0 : i32
    %dma_start3A_175 = tpu.memref_slice %arg6[%dma_start3A_164, %dma_start3A_173, %dma_start3A_174] : memref<4x200x128xf32, #tpu.memory_space<vmem>> -> memref<1x200x128xf32, #tpu.memory_space<vmem>>
    %dma_start3A_176 = tpu.memref_squeeze %dma_start3A_175 : memref<1x200x128xf32, #tpu.memory_space<vmem>> -> memref<200x128xf32, #tpu.memory_space<vmem>>
    tpu.enqueue_dma source(%dma_start3A_176 : memref<200x128xf32, #tpu.memory_space<vmem>>) target(%dma_start3A_172 : memref<200x128xf32, #tpu.memory_space<hbm>>) target_semaphore(%arg11 : memref<!tpu.dma_semaphore, #tpu.memory_space<semaphore_mem>>)
    %dma_start3A_177 = arith.constant 12 : i32
    %dma_start3A_178 = arith.constant 3 : i32
    %dma_start3A_179 = arith.constant 0 : i32
    %dma_start3A_180 = arith.constant 0 : i32
    %dma_start3A_181 = tpu.memref_slice %arg6[%dma_start3A_178, %dma_start3A_179, %dma_start3A_180] : memref<4x200x128xf32, #tpu.memory_space<vmem>> -> memref<1x50x128xf32, #tpu.memory_space<vmem>>
    %dma_start3A_182 = tpu.memref_squeeze %dma_start3A_181 : memref<1x50x128xf32, #tpu.memory_space<vmem>> -> memref<50x128xf32, #tpu.memory_space<vmem>>
    %dma_start3A_183 = arith.constant 0 : i32
    %dma_start3A_184 = tpu.memref_slice %arg5[%dma_start3A_177, %dma_start3A_183] : memref<128x50xi32, #tpu.memory_space<vmem>> -> memref<1x50xi32, #tpu.memory_space<vmem>>
    %dma_start3A_185 = tpu.memref_squeeze %dma_start3A_184 : memref<1x50xi32, #tpu.memory_space<vmem>> -> memref<50xi32, #tpu.memory_space<vmem>>
    %dma_start3A_186 = arith.constant 0 : i32
    %dma_start3A_187 = arith.constant 0 : i32
    %dma_start3A_188 = tpu.memref_slice %arg3[%dma_start3A_186, %dma_start3A_187] : memref<100000x128xf32, #tpu.memory_space<hbm>> -> memref<100000x128xf32, #tpu.memory_space<hbm>>
    tpu.enqueue_indirect_dma source(%dma_start3A_188 : memref<100000x128xf32, #tpu.memory_space<hbm>>) target(%dma_start3A_182 : memref<50x128xf32, #tpu.memory_space<vmem>>) offsets(%dma_start3A_185 : memref<50xi32, #tpu.memory_space<vmem>>) semaphore(%arg10 : memref<!tpu.dma_semaphore, #tpu.memory_space<semaphore_mem>>)
    %dma_start3A_189 = arith.constant 13 : i32
    %dma_start3A_190 = arith.constant 3 : i32
    %dma_start3A_191 = arith.constant 50 : i32
    %dma_start3A_192 = arith.constant 0 : i32
    %dma_start3A_193 = tpu.memref_slice %arg6[%dma_start3A_190, %dma_start3A_191, %dma_start3A_192] : memref<4x200x128xf32, #tpu.memory_space<vmem>> -> memref<1x50x128xf32, #tpu.memory_space<vmem>>
    %dma_start3A_194 = tpu.memref_squeeze %dma_start3A_193 : memref<1x50x128xf32, #tpu.memory_space<vmem>> -> memref<50x128xf32, #tpu.memory_space<vmem>>
    %dma_start3A_195 = arith.constant 0 : i32
    %dma_start3A_196 = tpu.memref_slice %arg5[%dma_start3A_189, %dma_start3A_195] : memref<128x50xi32, #tpu.memory_space<vmem>> -> memref<1x50xi32, #tpu.memory_space<vmem>>
    %dma_start3A_197 = tpu.memref_squeeze %dma_start3A_196 : memref<1x50xi32, #tpu.memory_space<vmem>> -> memref<50xi32, #tpu.memory_space<vmem>>
    %dma_start3A_198 = arith.constant 0 : i32
    %dma_start3A_199 = arith.constant 0 : i32
    %dma_start3A_200 = tpu.memref_slice %arg3[%dma_start3A_198, %dma_start3A_199] : memref<100000x128xf32, #tpu.memory_space<hbm>> -> memref<100000x128xf32, #tpu.memory_space<hbm>>
    tpu.enqueue_indirect_dma source(%dma_start3A_200 : memref<100000x128xf32, #tpu.memory_space<hbm>>) target(%dma_start3A_194 : memref<50x128xf32, #tpu.memory_space<vmem>>) offsets(%dma_start3A_197 : memref<50xi32, #tpu.memory_space<vmem>>) semaphore(%arg10 : memref<!tpu.dma_semaphore, #tpu.memory_space<semaphore_mem>>)
    %dma_start3A_201 = arith.constant 14 : i32
    %dma_start3A_202 = arith.constant 3 : i32
    %dma_start3A_203 = arith.constant 100 : i32
    %dma_start3A_204 = arith.constant 0 : i32
    %dma_start3A_205 = tpu.memref_slice %arg6[%dma_start3A_202, %dma_start3A_203, %dma_start3A_204] : memref<4x200x128xf32, #tpu.memory_space<vmem>> -> memref<1x50x128xf32, #tpu.memory_space<vmem>>
    %dma_start3A_206 = tpu.memref_squeeze %dma_start3A_205 : memref<1x50x128xf32, #tpu.memory_space<vmem>> -> memref<50x128xf32, #tpu.memory_space<vmem>>
    %dma_start3A_207 = arith.constant 0 : i32
    %dma_start3A_208 = tpu.memref_slice %arg5[%dma_start3A_201, %dma_start3A_207] : memref<128x50xi32, #tpu.memory_space<vmem>> -> memref<1x50xi32, #tpu.memory_space<vmem>>
    %dma_start3A_209 = tpu.memref_squeeze %dma_start3A_208 : memref<1x50xi32, #tpu.memory_space<vmem>> -> memref<50xi32, #tpu.memory_space<vmem>>
    %dma_start3A_210 = arith.constant 0 : i32
    %dma_start3A_211 = arith.constant 0 : i32
    %dma_start3A_212 = tpu.memref_slice %arg3[%dma_start3A_210, %dma_start3A_211] : memref<100000x128xf32, #tpu.memory_space<hbm>> -> memref<100000x128xf32, #tpu.memory_space<hbm>>
    tpu.enqueue_indirect_dma source(%dma_start3A_212 : memref<100000x128xf32, #tpu.memory_space<hbm>>) target(%dma_start3A_206 : memref<50x128xf32, #tpu.memory_space<vmem>>) offsets(%dma_start3A_209 : memref<50xi32, #tpu.memory_space<vmem>>) semaphore(%arg10 : memref<!tpu.dma_semaphore, #tpu.memory_space<semaphore_mem>>)
    %dma_start3A_213 = arith.constant 15 : i32
    %dma_start3A_214 = arith.constant 3 : i32
    %dma_start3A_215 = arith.constant 150 : i32
    %dma_start3A_216 = arith.constant 0 : i32
    %dma_start3A_217 = tpu.memref_slice %arg6[%dma_start3A_214, %dma_start3A_215, %dma_start3A_216] : memref<4x200x128xf32, #tpu.memory_space<vmem>> -> memref<1x50x128xf32, #tpu.memory_space<vmem>>
    %dma_start3A_218 = tpu.memref_squeeze %dma_start3A_217 : memref<1x50x128xf32, #tpu.memory_space<vmem>> -> memref<50x128xf32, #tpu.memory_space<vmem>>
    %dma_start3A_219 = arith.constant 0 : i32
    %dma_start3A_220 = tpu.memref_slice %arg5[%dma_start3A_213, %dma_start3A_219] : memref<128x50xi32, #tpu.memory_space<vmem>> -> memref<1x50xi32, #tpu.memory_space<vmem>>
    %dma_start3A_221 = tpu.memref_squeeze %dma_start3A_220 : memref<1x50xi32, #tpu.memory_space<vmem>> -> memref<50xi32, #tpu.memory_space<vmem>>
    %dma_start3A_222 = arith.constant 0 : i32
    %dma_start3A_223 = arith.constant 0 : i32
    %dma_start3A_224 = tpu.memref_slice %arg3[%dma_start3A_222, %dma_start3A_223] : memref<100000x128xf32, #tpu.memory_space<hbm>> -> memref<100000x128xf32, #tpu.memory_space<hbm>>
    tpu.enqueue_indirect_dma source(%dma_start3A_224 : memref<100000x128xf32, #tpu.memory_space<hbm>>) target(%dma_start3A_218 : memref<50x128xf32, #tpu.memory_space<vmem>>) offsets(%dma_start3A_221 : memref<50xi32, #tpu.memory_space<vmem>>) semaphore(%arg10 : memref<!tpu.dma_semaphore, #tpu.memory_space<semaphore_mem>>)
    %dma_wait3A_225 = arith.constant 1 : i32
    %dma_wait3A_226 = arith.constant 0 : i32
    %dma_wait3A_227 = arith.constant 0 : i32
    %dma_wait3A_228 = tpu.memref_slice %arg6[%dma_wait3A_225, %dma_wait3A_226, %dma_wait3A_227] : memref<4x200x128xf32, #tpu.memory_space<vmem>> -> memref<1x200x128xf32, #tpu.memory_space<vmem>>
    %dma_wait3A_229 = tpu.memref_squeeze %dma_wait3A_228 : memref<1x200x128xf32, #tpu.memory_space<vmem>> -> memref<200x128xf32, #tpu.memory_space<vmem>>
    %dma_wait3A_230 = arith.constant 0 : i32
    %dma_wait3A_231 = arith.constant 0 : i32
    %dma_wait3A_232 = tpu.memref_slice %arg3[%dma_wait3A_230, %dma_wait3A_231] : memref<100000x128xf32, #tpu.memory_space<hbm>> -> memref<200x128xf32, #tpu.memory_space<hbm>>
    %dma_wait3A_233 = arith.constant 0 : i32
    %dma_wait3A_234 = arith.constant 0 : i32
    %dma_wait3A_235 = tpu.memref_slice %arg6[%dma_wait3A_225, %dma_wait3A_233, %dma_wait3A_234] : memref<4x200x128xf32, #tpu.memory_space<vmem>> -> memref<1x200x128xf32, #tpu.memory_space<vmem>>
    %dma_wait3A_236 = tpu.memref_squeeze %dma_wait3A_235 : memref<1x200x128xf32, #tpu.memory_space<vmem>> -> memref<200x128xf32, #tpu.memory_space<vmem>>
    %dma_wait3A_237 = arith.constant 0 : i32
    %dma_wait3A_238 = arith.constant 0 : i32
    %dma_wait3A_239 = tpu.memref_slice %arg3[%dma_wait3A_237, %dma_wait3A_238] : memref<100000x128xf32, #tpu.memory_space<hbm>> -> memref<200x128xf32, #tpu.memory_space<hbm>>
    tpu.wait_dma2 semaphore(%arg8 : memref<!tpu.dma_semaphore, #tpu.memory_space<semaphore_mem>>) src(%dma_wait3A_239 : memref<200x128xf32, #tpu.memory_space<hbm>>) dst(%dma_wait3A_236 : memref<200x128xf32, #tpu.memory_space<vmem>>)
    %add3A_240 = arith.constant 200 : i32
    %add3A_241 = arith.addi %mul3A_2, %add3A_240 : i32
    %dma_start3A_242 = arith.constant 1 : i32
    %dma_start3A_243 = arith.constant 0 : i32
    %dma_start3A_244 = arith.constant 0 : i32
    %dma_start3A_245 = tpu.memref_slice %arg6[%dma_start3A_242, %dma_start3A_243, %dma_start3A_244] : memref<4x200x128xf32, #tpu.memory_space<vmem>> -> memref<1x200x128xf32, #tpu.memory_space<vmem>>
    %dma_start3A_246 = tpu.memref_squeeze %dma_start3A_245 : memref<1x200x128xf32, #tpu.memory_space<vmem>> -> memref<200x128xf32, #tpu.memory_space<vmem>>
    %dma_start3A_247 = arith.constant 0 : i32
    %dma_start3A_248 = tpu.memref_slice %arg4[%add3A_241, %dma_start3A_247] : memref<204800x128xf32, #tpu.memory_space<hbm>> -> memref<200x128xf32, #tpu.memory_space<hbm>>
    %dma_start3A_249 = arith.constant 0 : i32
    %dma_start3A_250 = tpu.memref_slice %arg4[%add3A_241, %dma_start3A_249] : memref<204800x128xf32, #tpu.memory_space<hbm>> -> memref<200x128xf32, #tpu.memory_space<hbm>>
    %dma_start3A_251 = arith.constant 0 : i32
    %dma_start3A_252 = arith.constant 0 : i32
    %dma_start3A_253 = tpu.memref_slice %arg6[%dma_start3A_242, %dma_start3A_251, %dma_start3A_252] : memref<4x200x128xf32, #tpu.memory_space<vmem>> -> memref<1x200x128xf32, #tpu.memory_space<vmem>>
    %dma_start3A_254 = tpu.memref_squeeze %dma_start3A_253 : memref<1x200x128xf32, #tpu.memory_space<vmem>> -> memref<200x128xf32, #tpu.memory_space<vmem>>
    tpu.enqueue_dma source(%dma_start3A_254 : memref<200x128xf32, #tpu.memory_space<vmem>>) target(%dma_start3A_250 : memref<200x128xf32, #tpu.memory_space<hbm>>) target_semaphore(%arg12 : memref<!tpu.dma_semaphore, #tpu.memory_space<semaphore_mem>>)
    %dma_wait3A_255 = arith.constant 0 : i32
    %dma_wait3A_256 = arith.constant 0 : i32
    %dma_wait3A_257 = arith.constant 0 : i32
    %dma_wait3A_258 = tpu.memref_slice %arg6[%dma_wait3A_255, %dma_wait3A_256, %dma_wait3A_257] : memref<4x200x128xf32, #tpu.memory_space<vmem>> -> memref<1x200x128xf32, #tpu.memory_space<vmem>>
    %dma_wait3A_259 = tpu.memref_squeeze %dma_wait3A_258 : memref<1x200x128xf32, #tpu.memory_space<vmem>> -> memref<200x128xf32, #tpu.memory_space<vmem>>
    %dma_wait3A_260 = arith.constant 0 : i32
    %dma_wait3A_261 = tpu.memref_slice %arg4[%mul3A_2, %dma_wait3A_260] : memref<204800x128xf32, #tpu.memory_space<hbm>> -> memref<200x128xf32, #tpu.memory_space<hbm>>
    %dma_wait3A_262 = arith.constant 0 : i32
    %dma_wait3A_263 = tpu.memref_slice %arg4[%mul3A_2, %dma_wait3A_262] : memref<204800x128xf32, #tpu.memory_space<hbm>> -> memref<200x128xf32, #tpu.memory_space<hbm>>
    %dma_wait3A_264 = arith.constant 0 : i32
    %dma_wait3A_265 = arith.constant 0 : i32
    %dma_wait3A_266 = tpu.memref_slice %arg6[%dma_wait3A_255, %dma_wait3A_264, %dma_wait3A_265] : memref<4x200x128xf32, #tpu.memory_space<vmem>> -> memref<1x200x128xf32, #tpu.memory_space<vmem>>
    %dma_wait3A_267 = tpu.memref_squeeze %dma_wait3A_266 : memref<1x200x128xf32, #tpu.memory_space<vmem>> -> memref<200x128xf32, #tpu.memory_space<vmem>>
    tpu.wait_dma2 semaphore(%arg11 : memref<!tpu.dma_semaphore, #tpu.memory_space<semaphore_mem>>) src(%dma_wait3A_267 : memref<200x128xf32, #tpu.memory_space<vmem>>) dst(%dma_wait3A_263 : memref<200x128xf32, #tpu.memory_space<hbm>>)
    %dma_start3A_268 = arith.constant 16 : i32
    %dma_start3A_269 = arith.constant 0 : i32
    %dma_start3A_270 = arith.constant 0 : i32
    %dma_start3A_271 = arith.constant 0 : i32
    %dma_start3A_272 = tpu.memref_slice %arg6[%dma_start3A_269, %dma_start3A_270, %dma_start3A_271] : memref<4x200x128xf32, #tpu.memory_space<vmem>> -> memref<1x50x128xf32, #tpu.memory_space<vmem>>
    %dma_start3A_273 = tpu.memref_squeeze %dma_start3A_272 : memref<1x50x128xf32, #tpu.memory_space<vmem>> -> memref<50x128xf32, #tpu.memory_space<vmem>>
    %dma_start3A_274 = arith.constant 0 : i32
    %dma_start3A_275 = tpu.memref_slice %arg5[%dma_start3A_268, %dma_start3A_274] : memref<128x50xi32, #tpu.memory_space<vmem>> -> memref<1x50xi32, #tpu.memory_space<vmem>>
    %dma_start3A_276 = tpu.memref_squeeze %dma_start3A_275 : memref<1x50xi32, #tpu.memory_space<vmem>> -> memref<50xi32, #tpu.memory_space<vmem>>
    %dma_start3A_277 = arith.constant 0 : i32
    %dma_start3A_278 = arith.constant 0 : i32
    %dma_start3A_279 = tpu.memref_slice %arg3[%dma_start3A_277, %dma_start3A_278] : memref<100000x128xf32, #tpu.memory_space<hbm>> -> memref<100000x128xf32, #tpu.memory_space<hbm>>
    tpu.enqueue_indirect_dma source(%dma_start3A_279 : memref<100000x128xf32, #tpu.memory_space<hbm>>) target(%dma_start3A_273 : memref<50x128xf32, #tpu.memory_space<vmem>>) offsets(%dma_start3A_276 : memref<50xi32, #tpu.memory_space<vmem>>) semaphore(%arg7 : memref<!tpu.dma_semaphore, #tpu.memory_space<semaphore_mem>>)
    %dma_start3A_280 = arith.constant 17 : i32
    %dma_start3A_281 = arith.constant 0 : i32
    %dma_start3A_282 = arith.constant 50 : i32
    %dma_start3A_283 = arith.constant 0 : i32
    %dma_start3A_284 = tpu.memref_slice %arg6[%dma_start3A_281, %dma_start3A_282, %dma_start3A_283] : memref<4x200x128xf32, #tpu.memory_space<vmem>> -> memref<1x50x128xf32, #tpu.memory_space<vmem>>
    %dma_start3A_285 = tpu.memref_squeeze %dma_start3A_284 : memref<1x50x128xf32, #tpu.memory_space<vmem>> -> memref<50x128xf32, #tpu.memory_space<vmem>>
    %dma_start3A_286 = arith.constant 0 : i32
    %dma_start3A_287 = tpu.memref_slice %arg5[%dma_start3A_280, %dma_start3A_286] : memref<128x50xi32, #tpu.memory_space<vmem>> -> memref<1x50xi32, #tpu.memory_space<vmem>>
    %dma_start3A_288 = tpu.memref_squeeze %dma_start3A_287 : memref<1x50xi32, #tpu.memory_space<vmem>> -> memref<50xi32, #tpu.memory_space<vmem>>
    %dma_start3A_289 = arith.constant 0 : i32
    %dma_start3A_290 = arith.constant 0 : i32
    %dma_start3A_291 = tpu.memref_slice %arg3[%dma_start3A_289, %dma_start3A_290] : memref<100000x128xf32, #tpu.memory_space<hbm>> -> memref<100000x128xf32, #tpu.memory_space<hbm>>
    tpu.enqueue_indirect_dma source(%dma_start3A_291 : memref<100000x128xf32, #tpu.memory_space<hbm>>) target(%dma_start3A_285 : memref<50x128xf32, #tpu.memory_space<vmem>>) offsets(%dma_start3A_288 : memref<50xi32, #tpu.memory_space<vmem>>) semaphore(%arg7 : memref<!tpu.dma_semaphore, #tpu.memory_space<semaphore_mem>>)
    %dma_start3A_292 = arith.constant 18 : i32
    %dma_start3A_293 = arith.constant 0 : i32
    %dma_start3A_294 = arith.constant 100 : i32
    %dma_start3A_295 = arith.constant 0 : i32
    %dma_start3A_296 = tpu.memref_slice %arg6[%dma_start3A_293, %dma_start3A_294, %dma_start3A_295] : memref<4x200x128xf32, #tpu.memory_space<vmem>> -> memref<1x50x128xf32, #tpu.memory_space<vmem>>
    %dma_start3A_297 = tpu.memref_squeeze %dma_start3A_296 : memref<1x50x128xf32, #tpu.memory_space<vmem>> -> memref<50x128xf32, #tpu.memory_space<vmem>>
    %dma_start3A_298 = arith.constant 0 : i32
    %dma_start3A_299 = tpu.memref_slice %arg5[%dma_start3A_292, %dma_start3A_298] : memref<128x50xi32, #tpu.memory_space<vmem>> -> memref<1x50xi32, #tpu.memory_space<vmem>>
    %dma_start3A_300 = tpu.memref_squeeze %dma_start3A_299 : memref<1x50xi32, #tpu.memory_space<vmem>> -> memref<50xi32, #tpu.memory_space<vmem>>
    %dma_start3A_301 = arith.constant 0 : i32
    %dma_start3A_302 = arith.constant 0 : i32
    %dma_start3A_303 = tpu.memref_slice %arg3[%dma_start3A_301, %dma_start3A_302] : memref<100000x128xf32, #tpu.memory_space<hbm>> -> memref<100000x128xf32, #tpu.memory_space<hbm>>
    tpu.enqueue_indirect_dma source(%dma_start3A_303 : memref<100000x128xf32, #tpu.memory_space<hbm>>) target(%dma_start3A_297 : memref<50x128xf32, #tpu.memory_space<vmem>>) offsets(%dma_start3A_300 : memref<50xi32, #tpu.memory_space<vmem>>) semaphore(%arg7 : memref<!tpu.dma_semaphore, #tpu.memory_space<semaphore_mem>>)
    %dma_start3A_304 = arith.constant 19 : i32
    %dma_start3A_305 = arith.constant 0 : i32
    %dma_start3A_306 = arith.constant 150 : i32
    %dma_start3A_307 = arith.constant 0 : i32
    %dma_start3A_308 = tpu.memref_slice %arg6[%dma_start3A_305, %dma_start3A_306, %dma_start3A_307] : memref<4x200x128xf32, #tpu.memory_space<vmem>> -> memref<1x50x128xf32, #tpu.memory_space<vmem>>
    %dma_start3A_309 = tpu.memref_squeeze %dma_start3A_308 : memref<1x50x128xf32, #tpu.memory_space<vmem>> -> memref<50x128xf32, #tpu.memory_space<vmem>>
    %dma_start3A_310 = arith.constant 0 : i32
    %dma_start3A_311 = tpu.memref_slice %arg5[%dma_start3A_304, %dma_start3A_310] : memref<128x50xi32, #tpu.memory_space<vmem>> -> memref<1x50xi32, #tpu.memory_space<vmem>>
    %dma_start3A_312 = tpu.memref_squeeze %dma_start3A_311 : memref<1x50xi32, #tpu.memory_space<vmem>> -> memref<50xi32, #tpu.memory_space<vmem>>
    %dma_start3A_313 = arith.constant 0 : i32
    %dma_start3A_314 = arith.constant 0 : i32
    %dma_start3A_315 = tpu.memref_slice %arg3[%dma_start3A_313, %dma_start3A_314] : memref<100000x128xf32, #tpu.memory_space<hbm>> -> memref<100000x128xf32, #tpu.memory_space<hbm>>
    tpu.enqueue_indirect_dma source(%dma_start3A_315 : memref<100000x128xf32, #tpu.memory_space<hbm>>) target(%dma_start3A_309 : memref<50x128xf32, #tpu.memory_space<vmem>>) offsets(%dma_start3A_312 : memref<50xi32, #tpu.memory_space<vmem>>) semaphore(%arg7 : memref<!tpu.dma_semaphore, #tpu.memory_space<semaphore_mem>>)
    %dma_wait3A_316 = arith.constant 2 : i32
    %dma_wait3A_317 = arith.constant 0 : i32
    %dma_wait3A_318 = arith.constant 0 : i32
    %dma_wait3A_319 = tpu.memref_slice %arg6[%dma_wait3A_316, %dma_wait3A_317, %dma_wait3A_318] : memref<4x200x128xf32, #tpu.memory_space<vmem>> -> memref<1x200x128xf32, #tpu.memory_space<vmem>>
    %dma_wait3A_320 = tpu.memref_squeeze %dma_wait3A_319 : memref<1x200x128xf32, #tpu.memory_space<vmem>> -> memref<200x128xf32, #tpu.memory_space<vmem>>
    %dma_wait3A_321 = arith.constant 0 : i32
    %dma_wait3A_322 = arith.constant 0 : i32
    %dma_wait3A_323 = tpu.memref_slice %arg3[%dma_wait3A_321, %dma_wait3A_322] : memref<100000x128xf32, #tpu.memory_space<hbm>> -> memref<200x128xf32, #tpu.memory_space<hbm>>
    %dma_wait3A_324 = arith.constant 0 : i32
    %dma_wait3A_325 = arith.constant 0 : i32
    %dma_wait3A_326 = tpu.memref_slice %arg6[%dma_wait3A_316, %dma_wait3A_324, %dma_wait3A_325] : memref<4x200x128xf32, #tpu.memory_space<vmem>> -> memref<1x200x128xf32, #tpu.memory_space<vmem>>
    %dma_wait3A_327 = tpu.memref_squeeze %dma_wait3A_326 : memref<1x200x128xf32, #tpu.memory_space<vmem>> -> memref<200x128xf32, #tpu.memory_space<vmem>>
    %dma_wait3A_328 = arith.constant 0 : i32
    %dma_wait3A_329 = arith.constant 0 : i32
    %dma_wait3A_330 = tpu.memref_slice %arg3[%dma_wait3A_328, %dma_wait3A_329] : memref<100000x128xf32, #tpu.memory_space<hbm>> -> memref<200x128xf32, #tpu.memory_space<hbm>>
    tpu.wait_dma2 semaphore(%arg9 : memref<!tpu.dma_semaphore, #tpu.memory_space<semaphore_mem>>) src(%dma_wait3A_330 : memref<200x128xf32, #tpu.memory_space<hbm>>) dst(%dma_wait3A_327 : memref<200x128xf32, #tpu.memory_space<vmem>>)
    %add3A_331 = arith.constant 400 : i32
    %add3A_332 = arith.addi %mul3A_2, %add3A_331 : i32
    %dma_start3A_333 = arith.constant 2 : i32
    %dma_start3A_334 = arith.constant 0 : i32
    %dma_start3A_335 = arith.constant 0 : i32
    %dma_start3A_336 = tpu.memref_slice %arg6[%dma_start3A_333, %dma_start3A_334, %dma_start3A_335] : memref<4x200x128xf32, #tpu.memory_space<vmem>> -> memref<1x200x128xf32, #tpu.memory_space<vmem>>
    %dma_start3A_337 = tpu.memref_squeeze %dma_start3A_336 : memref<1x200x128xf32, #tpu.memory_space<vmem>> -> memref<200x128xf32, #tpu.memory_space<vmem>>
    %dma_start3A_338 = arith.constant 0 : i32
    %dma_start3A_339 = tpu.memref_slice %arg4[%add3A_332, %dma_start3A_338] : memref<204800x128xf32, #tpu.memory_space<hbm>> -> memref<200x128xf32, #tpu.memory_space<hbm>>
    %dma_start3A_340 = arith.constant 0 : i32
    %dma_start3A_341 = tpu.memref_slice %arg4[%add3A_332, %dma_start3A_340] : memref<204800x128xf32, #tpu.memory_space<hbm>> -> memref<200x128xf32, #tpu.memory_space<hbm>>
    %dma_start3A_342 = arith.constant 0 : i32
    %dma_start3A_343 = arith.constant 0 : i32
    %dma_start3A_344 = tpu.memref_slice %arg6[%dma_start3A_333, %dma_start3A_342, %dma_start3A_343] : memref<4x200x128xf32, #tpu.memory_space<vmem>> -> memref<1x200x128xf32, #tpu.memory_space<vmem>>
    %dma_start3A_345 = tpu.memref_squeeze %dma_start3A_344 : memref<1x200x128xf32, #tpu.memory_space<vmem>> -> memref<200x128xf32, #tpu.memory_space<vmem>>
    tpu.enqueue_dma source(%dma_start3A_345 : memref<200x128xf32, #tpu.memory_space<vmem>>) target(%dma_start3A_341 : memref<200x128xf32, #tpu.memory_space<hbm>>) target_semaphore(%arg13 : memref<!tpu.dma_semaphore, #tpu.memory_space<semaphore_mem>>)
    %dma_wait3A_346 = arith.constant 1 : i32
    %dma_wait3A_347 = arith.constant 0 : i32
    %dma_wait3A_348 = arith.constant 0 : i32
    %dma_wait3A_349 = tpu.memref_slice %arg6[%dma_wait3A_346, %dma_wait3A_347, %dma_wait3A_348] : memref<4x200x128xf32, #tpu.memory_space<vmem>> -> memref<1x200x128xf32, #tpu.memory_space<vmem>>
    %dma_wait3A_350 = tpu.memref_squeeze %dma_wait3A_349 : memref<1x200x128xf32, #tpu.memory_space<vmem>> -> memref<200x128xf32, #tpu.memory_space<vmem>>
    %dma_wait3A_351 = arith.constant 0 : i32
    %dma_wait3A_352 = tpu.memref_slice %arg4[%mul3A_2, %dma_wait3A_351] : memref<204800x128xf32, #tpu.memory_space<hbm>> -> memref<200x128xf32, #tpu.memory_space<hbm>>
    %dma_wait3A_353 = arith.constant 0 : i32
    %dma_wait3A_354 = tpu.memref_slice %arg4[%mul3A_2, %dma_wait3A_353] : memref<204800x128xf32, #tpu.memory_space<hbm>> -> memref<200x128xf32, #tpu.memory_space<hbm>>
    %dma_wait3A_355 = arith.constant 0 : i32
    %dma_wait3A_356 = arith.constant 0 : i32
    %dma_wait3A_357 = tpu.memref_slice %arg6[%dma_wait3A_346, %dma_wait3A_355, %dma_wait3A_356] : memref<4x200x128xf32, #tpu.memory_space<vmem>> -> memref<1x200x128xf32, #tpu.memory_space<vmem>>
    %dma_wait3A_358 = tpu.memref_squeeze %dma_wait3A_357 : memref<1x200x128xf32, #tpu.memory_space<vmem>> -> memref<200x128xf32, #tpu.memory_space<vmem>>
    tpu.wait_dma2 semaphore(%arg12 : memref<!tpu.dma_semaphore, #tpu.memory_space<semaphore_mem>>) src(%dma_wait3A_358 : memref<200x128xf32, #tpu.memory_space<vmem>>) dst(%dma_wait3A_354 : memref<200x128xf32, #tpu.memory_space<hbm>>)
    %dma_start3A_359 = arith.constant 20 : i32
    %dma_start3A_360 = arith.constant 1 : i32
    %dma_start3A_361 = arith.constant 0 : i32
    %dma_start3A_362 = arith.constant 0 : i32
    %dma_start3A_363 = tpu.memref_slice %arg6[%dma_start3A_360, %dma_start3A_361, %dma_start3A_362] : memref<4x200x128xf32, #tpu.memory_space<vmem>> -> memref<1x50x128xf32, #tpu.memory_space<vmem>>
    %dma_start3A_364 = tpu.memref_squeeze %dma_start3A_363 : memref<1x50x128xf32, #tpu.memory_space<vmem>> -> memref<50x128xf32, #tpu.memory_space<vmem>>
    %dma_start3A_365 = arith.constant 0 : i32
    %dma_start3A_366 = tpu.memref_slice %arg5[%dma_start3A_359, %dma_start3A_365] : memref<128x50xi32, #tpu.memory_space<vmem>> -> memref<1x50xi32, #tpu.memory_space<vmem>>
    %dma_start3A_367 = tpu.memref_squeeze %dma_start3A_366 : memref<1x50xi32, #tpu.memory_space<vmem>> -> memref<50xi32, #tpu.memory_space<vmem>>
    %dma_start3A_368 = arith.constant 0 : i32
    %dma_start3A_369 = arith.constant 0 : i32
    %dma_start3A_370 = tpu.memref_slice %arg3[%dma_start3A_368, %dma_start3A_369] : memref<100000x128xf32, #tpu.memory_space<hbm>> -> memref<100000x128xf32, #tpu.memory_space<hbm>>
    tpu.enqueue_indirect_dma source(%dma_start3A_370 : memref<100000x128xf32, #tpu.memory_space<hbm>>) target(%dma_start3A_364 : memref<50x128xf32, #tpu.memory_space<vmem>>) offsets(%dma_start3A_367 : memref<50xi32, #tpu.memory_space<vmem>>) semaphore(%arg8 : memref<!tpu.dma_semaphore, #tpu.memory_space<semaphore_mem>>)
    %dma_start3A_371 = arith.constant 21 : i32
    %dma_start3A_372 = arith.constant 1 : i32
    %dma_start3A_373 = arith.constant 50 : i32
    %dma_start3A_374 = arith.constant 0 : i32
    %dma_start3A_375 = tpu.memref_slice %arg6[%dma_start3A_372, %dma_start3A_373, %dma_start3A_374] : memref<4x200x128xf32, #tpu.memory_space<vmem>> -> memref<1x50x128xf32, #tpu.memory_space<vmem>>
    %dma_start3A_376 = tpu.memref_squeeze %dma_start3A_375 : memref<1x50x128xf32, #tpu.memory_space<vmem>> -> memref<50x128xf32, #tpu.memory_space<vmem>>
    %dma_start3A_377 = arith.constant 0 : i32
    %dma_start3A_378 = tpu.memref_slice %arg5[%dma_start3A_371, %dma_start3A_377] : memref<128x50xi32, #tpu.memory_space<vmem>> -> memref<1x50xi32, #tpu.memory_space<vmem>>
    %dma_start3A_379 = tpu.memref_squeeze %dma_start3A_378 : memref<1x50xi32, #tpu.memory_space<vmem>> -> memref<50xi32, #tpu.memory_space<vmem>>
    %dma_start3A_380 = arith.constant 0 : i32
    %dma_start3A_381 = arith.constant 0 : i32
    %dma_start3A_382 = tpu.memref_slice %arg3[%dma_start3A_380, %dma_start3A_381] : memref<100000x128xf32, #tpu.memory_space<hbm>> -> memref<100000x128xf32, #tpu.memory_space<hbm>>
    tpu.enqueue_indirect_dma source(%dma_start3A_382 : memref<100000x128xf32, #tpu.memory_space<hbm>>) target(%dma_start3A_376 : memref<50x128xf32, #tpu.memory_space<vmem>>) offsets(%dma_start3A_379 : memref<50xi32, #tpu.memory_space<vmem>>) semaphore(%arg8 : memref<!tpu.dma_semaphore, #tpu.memory_space<semaphore_mem>>)
    %dma_start3A_383 = arith.constant 22 : i32
    %dma_start3A_384 = arith.constant 1 : i32
    %dma_start3A_385 = arith.constant 100 : i32
    %dma_start3A_386 = arith.constant 0 : i32
    %dma_start3A_387 = tpu.memref_slice %arg6[%dma_start3A_384, %dma_start3A_385, %dma_start3A_386] : memref<4x200x128xf32, #tpu.memory_space<vmem>> -> memref<1x50x128xf32, #tpu.memory_space<vmem>>
    %dma_start3A_388 = tpu.memref_squeeze %dma_start3A_387 : memref<1x50x128xf32, #tpu.memory_space<vmem>> -> memref<50x128xf32, #tpu.memory_space<vmem>>
    %dma_start3A_389 = arith.constant 0 : i32
    %dma_start3A_390 = tpu.memref_slice %arg5[%dma_start3A_383, %dma_start3A_389] : memref<128x50xi32, #tpu.memory_space<vmem>> -> memref<1x50xi32, #tpu.memory_space<vmem>>
    %dma_start3A_391 = tpu.memref_squeeze %dma_start3A_390 : memref<1x50xi32, #tpu.memory_space<vmem>> -> memref<50xi32, #tpu.memory_space<vmem>>
    %dma_start3A_392 = arith.constant 0 : i32
    %dma_start3A_393 = arith.constant 0 : i32
    %dma_start3A_394 = tpu.memref_slice %arg3[%dma_start3A_392, %dma_start3A_393] : memref<100000x128xf32, #tpu.memory_space<hbm>> -> memref<100000x128xf32, #tpu.memory_space<hbm>>
    tpu.enqueue_indirect_dma source(%dma_start3A_394 : memref<100000x128xf32, #tpu.memory_space<hbm>>) target(%dma_start3A_388 : memref<50x128xf32, #tpu.memory_space<vmem>>) offsets(%dma_start3A_391 : memref<50xi32, #tpu.memory_space<vmem>>) semaphore(%arg8 : memref<!tpu.dma_semaphore, #tpu.memory_space<semaphore_mem>>)
    %dma_start3A_395 = arith.constant 23 : i32
    %dma_start3A_396 = arith.constant 1 : i32
    %dma_start3A_397 = arith.constant 150 : i32
    %dma_start3A_398 = arith.constant 0 : i32
    %dma_start3A_399 = tpu.memref_slice %arg6[%dma_start3A_396, %dma_start3A_397, %dma_start3A_398] : memref<4x200x128xf32, #tpu.memory_space<vmem>> -> memref<1x50x128xf32, #tpu.memory_space<vmem>>
    %dma_start3A_400 = tpu.memref_squeeze %dma_start3A_399 : memref<1x50x128xf32, #tpu.memory_space<vmem>> -> memref<50x128xf32, #tpu.memory_space<vmem>>
    %dma_start3A_401 = arith.constant 0 : i32
    %dma_start3A_402 = tpu.memref_slice %arg5[%dma_start3A_395, %dma_start3A_401] : memref<128x50xi32, #tpu.memory_space<vmem>> -> memref<1x50xi32, #tpu.memory_space<vmem>>
    %dma_start3A_403 = tpu.memref_squeeze %dma_start3A_402 : memref<1x50xi32, #tpu.memory_space<vmem>> -> memref<50xi32, #tpu.memory_space<vmem>>
    %dma_start3A_404 = arith.constant 0 : i32
    %dma_start3A_405 = arith.constant 0 : i32
    %dma_start3A_406 = tpu.memref_slice %arg3[%dma_start3A_404, %dma_start3A_405] : memref<100000x128xf32, #tpu.memory_space<hbm>> -> memref<100000x128xf32, #tpu.memory_space<hbm>>
    tpu.enqueue_indirect_dma source(%dma_start3A_406 : memref<100000x128xf32, #tpu.memory_space<hbm>>) target(%dma_start3A_400 : memref<50x128xf32, #tpu.memory_space<vmem>>) offsets(%dma_start3A_403 : memref<50xi32, #tpu.memory_space<vmem>>) semaphore(%arg8 : memref<!tpu.dma_semaphore, #tpu.memory_space<semaphore_mem>>)
    %dma_wait3A_407 = arith.constant 3 : i32
    %dma_wait3A_408 = arith.constant 0 : i32
    %dma_wait3A_409 = arith.constant 0 : i32
    %dma_wait3A_410 = tpu.memref_slice %arg6[%dma_wait3A_407, %dma_wait3A_408, %dma_wait3A_409] : memref<4x200x128xf32, #tpu.memory_space<vmem>> -> memref<1x200x128xf32, #tpu.memory_space<vmem>>
    %dma_wait3A_411 = tpu.memref_squeeze %dma_wait3A_410 : memref<1x200x128xf32, #tpu.memory_space<vmem>> -> memref<200x128xf32, #tpu.memory_space<vmem>>
    %dma_wait3A_412 = arith.constant 0 : i32
    %dma_wait3A_413 = arith.constant 0 : i32
    %dma_wait3A_414 = tpu.memref_slice %arg3[%dma_wait3A_412, %dma_wait3A_413] : memref<100000x128xf32, #tpu.memory_space<hbm>> -> memref<200x128xf32, #tpu.memory_space<hbm>>
    %dma_wait3A_415 = arith.constant 0 : i32
    %dma_wait3A_416 = arith.constant 0 : i32
    %dma_wait3A_417 = tpu.memref_slice %arg6[%dma_wait3A_407, %dma_wait3A_415, %dma_wait3A_416] : memref<4x200x128xf32, #tpu.memory_space<vmem>> -> memref<1x200x128xf32, #tpu.memory_space<vmem>>
    %dma_wait3A_418 = tpu.memref_squeeze %dma_wait3A_417 : memref<1x200x128xf32, #tpu.memory_space<vmem>> -> memref<200x128xf32, #tpu.memory_space<vmem>>
    %dma_wait3A_419 = arith.constant 0 : i32
    %dma_wait3A_420 = arith.constant 0 : i32
    %dma_wait3A_421 = tpu.memref_slice %arg3[%dma_wait3A_419, %dma_wait3A_420] : memref<100000x128xf32, #tpu.memory_space<hbm>> -> memref<200x128xf32, #tpu.memory_space<hbm>>
    tpu.wait_dma2 semaphore(%arg10 : memref<!tpu.dma_semaphore, #tpu.memory_space<semaphore_mem>>) src(%dma_wait3A_421 : memref<200x128xf32, #tpu.memory_space<hbm>>) dst(%dma_wait3A_418 : memref<200x128xf32, #tpu.memory_space<vmem>>)
    %add3A_422 = arith.constant 600 : i32
    %add3A_423 = arith.addi %mul3A_2, %add3A_422 : i32
    %dma_start3A_424 = arith.constant 3 : i32
    %dma_start3A_425 = arith.constant 0 : i32
    %dma_start3A_426 = arith.constant 0 : i32
    %dma_start3A_427 = tpu.memref_slice %arg6[%dma_start3A_424, %dma_start3A_425, %dma_start3A_426] : memref<4x200x128xf32, #tpu.memory_space<vmem>> -> memref<1x200x128xf32, #tpu.memory_space<vmem>>
    %dma_start3A_428 = tpu.memref_squeeze %dma_start3A_427 : memref<1x200x128xf32, #tpu.memory_space<vmem>> -> memref<200x128xf32, #tpu.memory_space<vmem>>
    %dma_start3A_429 = arith.constant 0 : i32
    %dma_start3A_430 = tpu.memref_slice %arg4[%add3A_423, %dma_start3A_429] : memref<204800x128xf32, #tpu.memory_space<hbm>> -> memref<200x128xf32, #tpu.memory_space<hbm>>
    %dma_start3A_431 = arith.constant 0 : i32
    %dma_start3A_432 = tpu.memref_slice %arg4[%add3A_423, %dma_start3A_431] : memref<204800x128xf32, #tpu.memory_space<hbm>> -> memref<200x128xf32, #tpu.memory_space<hbm>>
    %dma_start3A_433 = arith.constant 0 : i32
    %dma_start3A_434 = arith.constant 0 : i32
    %dma_start3A_435 = tpu.memref_slice %arg6[%dma_start3A_424, %dma_start3A_433, %dma_start3A_434] : memref<4x200x128xf32, #tpu.memory_space<vmem>> -> memref<1x200x128xf32, #tpu.memory_space<vmem>>
    %dma_start3A_436 = tpu.memref_squeeze %dma_start3A_435 : memref<1x200x128xf32, #tpu.memory_space<vmem>> -> memref<200x128xf32, #tpu.memory_space<vmem>>
    tpu.enqueue_dma source(%dma_start3A_436 : memref<200x128xf32, #tpu.memory_space<vmem>>) target(%dma_start3A_432 : memref<200x128xf32, #tpu.memory_space<hbm>>) target_semaphore(%arg14 : memref<!tpu.dma_semaphore, #tpu.memory_space<semaphore_mem>>)
    %dma_wait3A_437 = arith.constant 2 : i32
    %dma_wait3A_438 = arith.constant 0 : i32
    %dma_wait3A_439 = arith.constant 0 : i32
    %dma_wait3A_440 = tpu.memref_slice %arg6[%dma_wait3A_437, %dma_wait3A_438, %dma_wait3A_439] : memref<4x200x128xf32, #tpu.memory_space<vmem>> -> memref<1x200x128xf32, #tpu.memory_space<vmem>>
    %dma_wait3A_441 = tpu.memref_squeeze %dma_wait3A_440 : memref<1x200x128xf32, #tpu.memory_space<vmem>> -> memref<200x128xf32, #tpu.memory_space<vmem>>
    %dma_wait3A_442 = arith.constant 0 : i32
    %dma_wait3A_443 = tpu.memref_slice %arg4[%mul3A_2, %dma_wait3A_442] : memref<204800x128xf32, #tpu.memory_space<hbm>> -> memref<200x128xf32, #tpu.memory_space<hbm>>
    %dma_wait3A_444 = arith.constant 0 : i32
    %dma_wait3A_445 = tpu.memref_slice %arg4[%mul3A_2, %dma_wait3A_444] : memref<204800x128xf32, #tpu.memory_space<hbm>> -> memref<200x128xf32, #tpu.memory_space<hbm>>
    %dma_wait3A_446 = arith.constant 0 : i32
    %dma_wait3A_447 = arith.constant 0 : i32
    %dma_wait3A_448 = tpu.memref_slice %arg6[%dma_wait3A_437, %dma_wait3A_446, %dma_wait3A_447] : memref<4x200x128xf32, #tpu.memory_space<vmem>> -> memref<1x200x128xf32, #tpu.memory_space<vmem>>
    %dma_wait3A_449 = tpu.memref_squeeze %dma_wait3A_448 : memref<1x200x128xf32, #tpu.memory_space<vmem>> -> memref<200x128xf32, #tpu.memory_space<vmem>>
    tpu.wait_dma2 semaphore(%arg13 : memref<!tpu.dma_semaphore, #tpu.memory_space<semaphore_mem>>) src(%dma_wait3A_449 : memref<200x128xf32, #tpu.memory_space<vmem>>) dst(%dma_wait3A_445 : memref<200x128xf32, #tpu.memory_space<hbm>>)
    %dma_start3A_450 = arith.constant 24 : i32
    %dma_start3A_451 = arith.constant 2 : i32
    %dma_start3A_452 = arith.constant 0 : i32
    %dma_start3A_453 = arith.constant 0 : i32
    %dma_start3A_454 = tpu.memref_slice %arg6[%dma_start3A_451, %dma_start3A_452, %dma_start3A_453] : memref<4x200x128xf32, #tpu.memory_space<vmem>> -> memref<1x50x128xf32, #tpu.memory_space<vmem>>
    %dma_start3A_455 = tpu.memref_squeeze %dma_start3A_454 : memref<1x50x128xf32, #tpu.memory_space<vmem>> -> memref<50x128xf32, #tpu.memory_space<vmem>>
    %dma_start3A_456 = arith.constant 0 : i32
    %dma_start3A_457 = tpu.memref_slice %arg5[%dma_start3A_450, %dma_start3A_456] : memref<128x50xi32, #tpu.memory_space<vmem>> -> memref<1x50xi32, #tpu.memory_space<vmem>>
    %dma_start3A_458 = tpu.memref_squeeze %dma_start3A_457 : memref<1x50xi32, #tpu.memory_space<vmem>> -> memref<50xi32, #tpu.memory_space<vmem>>
    %dma_start3A_459 = arith.constant 0 : i32
    %dma_start3A_460 = arith.constant 0 : i32
    %dma_start3A_461 = tpu.memref_slice %arg3[%dma_start3A_459, %dma_start3A_460] : memref<100000x128xf32, #tpu.memory_space<hbm>> -> memref<100000x128xf32, #tpu.memory_space<hbm>>
    tpu.enqueue_indirect_dma source(%dma_start3A_461 : memref<100000x128xf32, #tpu.memory_space<hbm>>) target(%dma_start3A_455 : memref<50x128xf32, #tpu.memory_space<vmem>>) offsets(%dma_start3A_458 : memref<50xi32, #tpu.memory_space<vmem>>) semaphore(%arg9 : memref<!tpu.dma_semaphore, #tpu.memory_space<semaphore_mem>>)
    %dma_start3A_462 = arith.constant 25 : i32
    %dma_start3A_463 = arith.constant 2 : i32
    %dma_start3A_464 = arith.constant 50 : i32
    %dma_start3A_465 = arith.constant 0 : i32
    %dma_start3A_466 = tpu.memref_slice %arg6[%dma_start3A_463, %dma_start3A_464, %dma_start3A_465] : memref<4x200x128xf32, #tpu.memory_space<vmem>> -> memref<1x50x128xf32, #tpu.memory_space<vmem>>
    %dma_start3A_467 = tpu.memref_squeeze %dma_start3A_466 : memref<1x50x128xf32, #tpu.memory_space<vmem>> -> memref<50x128xf32, #tpu.memory_space<vmem>>
    %dma_start3A_468 = arith.constant 0 : i32
    %dma_start3A_469 = tpu.memref_slice %arg5[%dma_start3A_462, %dma_start3A_468] : memref<128x50xi32, #tpu.memory_space<vmem>> -> memref<1x50xi32, #tpu.memory_space<vmem>>
    %dma_start3A_470 = tpu.memref_squeeze %dma_start3A_469 : memref<1x50xi32, #tpu.memory_space<vmem>> -> memref<50xi32, #tpu.memory_space<vmem>>
    %dma_start3A_471 = arith.constant 0 : i32
    %dma_start3A_472 = arith.constant 0 : i32
    %dma_start3A_473 = tpu.memref_slice %arg3[%dma_start3A_471, %dma_start3A_472] : memref<100000x128xf32, #tpu.memory_space<hbm>> -> memref<100000x128xf32, #tpu.memory_space<hbm>>
    tpu.enqueue_indirect_dma source(%dma_start3A_473 : memref<100000x128xf32, #tpu.memory_space<hbm>>) target(%dma_start3A_467 : memref<50x128xf32, #tpu.memory_space<vmem>>) offsets(%dma_start3A_470 : memref<50xi32, #tpu.memory_space<vmem>>) semaphore(%arg9 : memref<!tpu.dma_semaphore, #tpu.memory_space<semaphore_mem>>)
    %dma_start3A_474 = arith.constant 26 : i32
    %dma_start3A_475 = arith.constant 2 : i32
    %dma_start3A_476 = arith.constant 100 : i32
    %dma_start3A_477 = arith.constant 0 : i32
    %dma_start3A_478 = tpu.memref_slice %arg6[%dma_start3A_475, %dma_start3A_476, %dma_start3A_477] : memref<4x200x128xf32, #tpu.memory_space<vmem>> -> memref<1x50x128xf32, #tpu.memory_space<vmem>>
    %dma_start3A_479 = tpu.memref_squeeze %dma_start3A_478 : memref<1x50x128xf32, #tpu.memory_space<vmem>> -> memref<50x128xf32, #tpu.memory_space<vmem>>
    %dma_start3A_480 = arith.constant 0 : i32
    %dma_start3A_481 = tpu.memref_slice %arg5[%dma_start3A_474, %dma_start3A_480] : memref<128x50xi32, #tpu.memory_space<vmem>> -> memref<1x50xi32, #tpu.memory_space<vmem>>
    %dma_start3A_482 = tpu.memref_squeeze %dma_start3A_481 : memref<1x50xi32, #tpu.memory_space<vmem>> -> memref<50xi32, #tpu.memory_space<vmem>>
    %dma_start3A_483 = arith.constant 0 : i32
    %dma_start3A_484 = arith.constant 0 : i32
    %dma_start3A_485 = tpu.memref_slice %arg3[%dma_start3A_483, %dma_start3A_484] : memref<100000x128xf32, #tpu.memory_space<hbm>> -> memref<100000x128xf32, #tpu.memory_space<hbm>>
    tpu.enqueue_indirect_dma source(%dma_start3A_485 : memref<100000x128xf32, #tpu.memory_space<hbm>>) target(%dma_start3A_479 : memref<50x128xf32, #tpu.memory_space<vmem>>) offsets(%dma_start3A_482 : memref<50xi32, #tpu.memory_space<vmem>>) semaphore(%arg9 : memref<!tpu.dma_semaphore, #tpu.memory_space<semaphore_mem>>)
    %dma_start3A_486 = arith.constant 27 : i32
    %dma_start3A_487 = arith.constant 2 : i32
    %dma_start3A_488 = arith.constant 150 : i32
    %dma_start3A_489 = arith.constant 0 : i32
    %dma_start3A_490 = tpu.memref_slice %arg6[%dma_start3A_487, %dma_start3A_488, %dma_start3A_489] : memref<4x200x128xf32, #tpu.memory_space<vmem>> -> memref<1x50x128xf32, #tpu.memory_space<vmem>>
    %dma_start3A_491 = tpu.memref_squeeze %dma_start3A_490 : memref<1x50x128xf32, #tpu.memory_space<vmem>> -> memref<50x128xf32, #tpu.memory_space<vmem>>
    %dma_start3A_492 = arith.constant 0 : i32
    %dma_start3A_493 = tpu.memref_slice %arg5[%dma_start3A_486, %dma_start3A_492] : memref<128x50xi32, #tpu.memory_space<vmem>> -> memref<1x50xi32, #tpu.memory_space<vmem>>
    %dma_start3A_494 = tpu.memref_squeeze %dma_start3A_493 : memref<1x50xi32, #tpu.memory_space<vmem>> -> memref<50xi32, #tpu.memory_space<vmem>>
    %dma_start3A_495 = arith.constant 0 : i32
    %dma_start3A_496 = arith.constant 0 : i32
    %dma_start3A_497 = tpu.memref_slice %arg3[%dma_start3A_495, %dma_start3A_496] : memref<100000x128xf32, #tpu.memory_space<hbm>> -> memref<100000x128xf32, #tpu.memory_space<hbm>>
    tpu.enqueue_indirect_dma source(%dma_start3A_497 : memref<100000x128xf32, #tpu.memory_space<hbm>>) target(%dma_start3A_491 : memref<50x128xf32, #tpu.memory_space<vmem>>) offsets(%dma_start3A_494 : memref<50xi32, #tpu.memory_space<vmem>>) semaphore(%arg9 : memref<!tpu.dma_semaphore, #tpu.memory_space<semaphore_mem>>)
    %scan3A = arith.constant 0 : i32
    %scan3A_498 = arith.constant 1 : i32
    %scan3A_499 = arith.constant 6 : i32
    %scan3A_500 = arith.addi %scan3A_498, %scan3A_499 : i32
    %scan3A_501 = arith.constant 1 : i32
    scf.for %scan3A_736 = %scan3A_498 to %scan3A_500 step %scan3A_501  : i32 {
      %mul3A_737 = arith.constant 4 : i32
      %mul3A_738 = arith.muli %scan3A_736, %mul3A_737 : i32
      %add3A_739 = arith.constant 0 : i32
      %add3A_740 = arith.addi %mul3A_738, %add3A_739 : i32
      %dma_wait3A_741 = arith.constant 0 : i32
      %dma_wait3A_742 = arith.constant 0 : i32
      %dma_wait3A_743 = arith.constant 0 : i32
      %dma_wait3A_744 = tpu.memref_slice %arg6[%dma_wait3A_741, %dma_wait3A_742, %dma_wait3A_743] : memref<4x200x128xf32, #tpu.memory_space<vmem>> -> memref<1x200x128xf32, #tpu.memory_space<vmem>>
      %dma_wait3A_745 = tpu.memref_squeeze %dma_wait3A_744 : memref<1x200x128xf32, #tpu.memory_space<vmem>> -> memref<200x128xf32, #tpu.memory_space<vmem>>
      %dma_wait3A_746 = arith.constant 0 : i32
      %dma_wait3A_747 = arith.constant 0 : i32
      %dma_wait3A_748 = tpu.memref_slice %arg3[%dma_wait3A_746, %dma_wait3A_747] : memref<100000x128xf32, #tpu.memory_space<hbm>> -> memref<200x128xf32, #tpu.memory_space<hbm>>
      %dma_wait3A_749 = arith.constant 0 : i32
      %dma_wait3A_750 = arith.constant 0 : i32
      %dma_wait3A_751 = tpu.memref_slice %arg6[%dma_wait3A_741, %dma_wait3A_749, %dma_wait3A_750] : memref<4x200x128xf32, #tpu.memory_space<vmem>> -> memref<1x200x128xf32, #tpu.memory_space<vmem>>
      %dma_wait3A_752 = tpu.memref_squeeze %dma_wait3A_751 : memref<1x200x128xf32, #tpu.memory_space<vmem>> -> memref<200x128xf32, #tpu.memory_space<vmem>>
      %dma_wait3A_753 = arith.constant 0 : i32
      %dma_wait3A_754 = arith.constant 0 : i32
      %dma_wait3A_755 = tpu.memref_slice %arg3[%dma_wait3A_753, %dma_wait3A_754] : memref<100000x128xf32, #tpu.memory_space<hbm>> -> memref<200x128xf32, #tpu.memory_space<hbm>>
      tpu.wait_dma2 semaphore(%arg7 : memref<!tpu.dma_semaphore, #tpu.memory_space<semaphore_mem>>) src(%dma_wait3A_755 : memref<200x128xf32, #tpu.memory_space<hbm>>) dst(%dma_wait3A_752 : memref<200x128xf32, #tpu.memory_space<vmem>>)
      %mul3A_756 = arith.constant 200 : i32
      %mul3A_757 = arith.muli %add3A_740, %mul3A_756 : i32
      %add3A_758 = arith.addi %mul3A_2, %mul3A_757 : i32
      %dma_start3A_759 = arith.constant 0 : i32
      %dma_start3A_760 = arith.constant 0 : i32
      %dma_start3A_761 = arith.constant 0 : i32
      %dma_start3A_762 = tpu.memref_slice %arg6[%dma_start3A_759, %dma_start3A_760, %dma_start3A_761] : memref<4x200x128xf32, #tpu.memory_space<vmem>> -> memref<1x200x128xf32, #tpu.memory_space<vmem>>
      %dma_start3A_763 = tpu.memref_squeeze %dma_start3A_762 : memref<1x200x128xf32, #tpu.memory_space<vmem>> -> memref<200x128xf32, #tpu.memory_space<vmem>>
      %dma_start3A_764 = arith.constant 0 : i32
      %dma_start3A_765 = tpu.memref_slice %arg4[%add3A_758, %dma_start3A_764] : memref<204800x128xf32, #tpu.memory_space<hbm>> -> memref<200x128xf32, #tpu.memory_space<hbm>>
      %dma_start3A_766 = arith.constant 0 : i32
      %dma_start3A_767 = tpu.memref_slice %arg4[%add3A_758, %dma_start3A_766] : memref<204800x128xf32, #tpu.memory_space<hbm>> -> memref<200x128xf32, #tpu.memory_space<hbm>>
      %dma_start3A_768 = arith.constant 0 : i32
      %dma_start3A_769 = arith.constant 0 : i32
      %dma_start3A_770 = tpu.memref_slice %arg6[%dma_start3A_759, %dma_start3A_768, %dma_start3A_769] : memref<4x200x128xf32, #tpu.memory_space<vmem>> -> memref<1x200x128xf32, #tpu.memory_space<vmem>>
      %dma_start3A_771 = tpu.memref_squeeze %dma_start3A_770 : memref<1x200x128xf32, #tpu.memory_space<vmem>> -> memref<200x128xf32, #tpu.memory_space<vmem>>
      tpu.enqueue_dma source(%dma_start3A_771 : memref<200x128xf32, #tpu.memory_space<vmem>>) target(%dma_start3A_767 : memref<200x128xf32, #tpu.memory_space<hbm>>) target_semaphore(%arg11 : memref<!tpu.dma_semaphore, #tpu.memory_space<semaphore_mem>>)
      %dma_wait3A_772 = arith.constant 3 : i32
      %dma_wait3A_773 = arith.constant 0 : i32
      %dma_wait3A_774 = arith.constant 0 : i32
      %dma_wait3A_775 = tpu.memref_slice %arg6[%dma_wait3A_772, %dma_wait3A_773, %dma_wait3A_774] : memref<4x200x128xf32, #tpu.memory_space<vmem>> -> memref<1x200x128xf32, #tpu.memory_space<vmem>>
      %dma_wait3A_776 = tpu.memref_squeeze %dma_wait3A_775 : memref<1x200x128xf32, #tpu.memory_space<vmem>> -> memref<200x128xf32, #tpu.memory_space<vmem>>
      %dma_wait3A_777 = arith.constant 0 : i32
      %dma_wait3A_778 = tpu.memref_slice %arg4[%mul3A_2, %dma_wait3A_777] : memref<204800x128xf32, #tpu.memory_space<hbm>> -> memref<200x128xf32, #tpu.memory_space<hbm>>
      %dma_wait3A_779 = arith.constant 0 : i32
      %dma_wait3A_780 = tpu.memref_slice %arg4[%mul3A_2, %dma_wait3A_779] : memref<204800x128xf32, #tpu.memory_space<hbm>> -> memref<200x128xf32, #tpu.memory_space<hbm>>
      %dma_wait3A_781 = arith.constant 0 : i32
      %dma_wait3A_782 = arith.constant 0 : i32
      %dma_wait3A_783 = tpu.memref_slice %arg6[%dma_wait3A_772, %dma_wait3A_781, %dma_wait3A_782] : memref<4x200x128xf32, #tpu.memory_space<vmem>> -> memref<1x200x128xf32, #tpu.memory_space<vmem>>
      %dma_wait3A_784 = tpu.memref_squeeze %dma_wait3A_783 : memref<1x200x128xf32, #tpu.memory_space<vmem>> -> memref<200x128xf32, #tpu.memory_space<vmem>>
      tpu.wait_dma2 semaphore(%arg14 : memref<!tpu.dma_semaphore, #tpu.memory_space<semaphore_mem>>) src(%dma_wait3A_784 : memref<200x128xf32, #tpu.memory_space<vmem>>) dst(%dma_wait3A_780 : memref<200x128xf32, #tpu.memory_space<hbm>>)
      %add3A_785 = arith.constant 3 : i32
      %add3A_786 = arith.addi %add3A_740, %add3A_785 : i32
      %mul3A_787 = arith.constant 4 : i32
      %mul3A_788 = arith.muli %add3A_786, %mul3A_787 : i32
      %add3A_789 = arith.constant 0 : i32
      %add3A_790 = arith.addi %mul3A_788, %add3A_789 : i32
      %dma_start3A_791 = arith.constant 3 : i32
      %dma_start3A_792 = arith.constant 0 : i32
      %dma_start3A_793 = arith.constant 0 : i32
      %dma_start3A_794 = tpu.memref_slice %arg6[%dma_start3A_791, %dma_start3A_792, %dma_start3A_793] : memref<4x200x128xf32, #tpu.memory_space<vmem>> -> memref<1x50x128xf32, #tpu.memory_space<vmem>>
      %dma_start3A_795 = tpu.memref_squeeze %dma_start3A_794 : memref<1x50x128xf32, #tpu.memory_space<vmem>> -> memref<50x128xf32, #tpu.memory_space<vmem>>
      %dma_start3A_796 = arith.constant 0 : i32
      %dma_start3A_797 = tpu.memref_slice %arg5[%add3A_790, %dma_start3A_796] : memref<128x50xi32, #tpu.memory_space<vmem>> -> memref<1x50xi32, #tpu.memory_space<vmem>>
      %dma_start3A_798 = tpu.memref_squeeze %dma_start3A_797 : memref<1x50xi32, #tpu.memory_space<vmem>> -> memref<50xi32, #tpu.memory_space<vmem>>
      %dma_start3A_799 = arith.constant 0 : i32
      %dma_start3A_800 = arith.constant 0 : i32
      %dma_start3A_801 = tpu.memref_slice %arg3[%dma_start3A_799, %dma_start3A_800] : memref<100000x128xf32, #tpu.memory_space<hbm>> -> memref<100000x128xf32, #tpu.memory_space<hbm>>
      tpu.enqueue_indirect_dma source(%dma_start3A_801 : memref<100000x128xf32, #tpu.memory_space<hbm>>) target(%dma_start3A_795 : memref<50x128xf32, #tpu.memory_space<vmem>>) offsets(%dma_start3A_798 : memref<50xi32, #tpu.memory_space<vmem>>) semaphore(%arg10 : memref<!tpu.dma_semaphore, #tpu.memory_space<semaphore_mem>>)
      %mul3A_802 = arith.constant 4 : i32
      %mul3A_803 = arith.muli %add3A_786, %mul3A_802 : i32
      %add3A_804 = arith.constant 1 : i32
      %add3A_805 = arith.addi %mul3A_803, %add3A_804 : i32
      %dma_start3A_806 = arith.constant 3 : i32
      %dma_start3A_807 = arith.constant 50 : i32
      %dma_start3A_808 = arith.constant 0 : i32
      %dma_start3A_809 = tpu.memref_slice %arg6[%dma_start3A_806, %dma_start3A_807, %dma_start3A_808] : memref<4x200x128xf32, #tpu.memory_space<vmem>> -> memref<1x50x128xf32, #tpu.memory_space<vmem>>
      %dma_start3A_810 = tpu.memref_squeeze %dma_start3A_809 : memref<1x50x128xf32, #tpu.memory_space<vmem>> -> memref<50x128xf32, #tpu.memory_space<vmem>>
      %dma_start3A_811 = arith.constant 0 : i32
      %dma_start3A_812 = tpu.memref_slice %arg5[%add3A_805, %dma_start3A_811] : memref<128x50xi32, #tpu.memory_space<vmem>> -> memref<1x50xi32, #tpu.memory_space<vmem>>
      %dma_start3A_813 = tpu.memref_squeeze %dma_start3A_812 : memref<1x50xi32, #tpu.memory_space<vmem>> -> memref<50xi32, #tpu.memory_space<vmem>>
      %dma_start3A_814 = arith.constant 0 : i32
      %dma_start3A_815 = arith.constant 0 : i32
      %dma_start3A_816 = tpu.memref_slice %arg3[%dma_start3A_814, %dma_start3A_815] : memref<100000x128xf32, #tpu.memory_space<hbm>> -> memref<100000x128xf32, #tpu.memory_space<hbm>>
      tpu.enqueue_indirect_dma source(%dma_start3A_816 : memref<100000x128xf32, #tpu.memory_space<hbm>>) target(%dma_start3A_810 : memref<50x128xf32, #tpu.memory_space<vmem>>) offsets(%dma_start3A_813 : memref<50xi32, #tpu.memory_space<vmem>>) semaphore(%arg10 : memref<!tpu.dma_semaphore, #tpu.memory_space<semaphore_mem>>)
      %mul3A_817 = arith.constant 4 : i32
      %mul3A_818 = arith.muli %add3A_786, %mul3A_817 : i32
      %add3A_819 = arith.constant 2 : i32
      %add3A_820 = arith.addi %mul3A_818, %add3A_819 : i32
      %dma_start3A_821 = arith.constant 3 : i32
      %dma_start3A_822 = arith.constant 100 : i32
      %dma_start3A_823 = arith.constant 0 : i32
      %dma_start3A_824 = tpu.memref_slice %arg6[%dma_start3A_821, %dma_start3A_822, %dma_start3A_823] : memref<4x200x128xf32, #tpu.memory_space<vmem>> -> memref<1x50x128xf32, #tpu.memory_space<vmem>>
      %dma_start3A_825 = tpu.memref_squeeze %dma_start3A_824 : memref<1x50x128xf32, #tpu.memory_space<vmem>> -> memref<50x128xf32, #tpu.memory_space<vmem>>
      %dma_start3A_826 = arith.constant 0 : i32
      %dma_start3A_827 = tpu.memref_slice %arg5[%add3A_820, %dma_start3A_826] : memref<128x50xi32, #tpu.memory_space<vmem>> -> memref<1x50xi32, #tpu.memory_space<vmem>>
      %dma_start3A_828 = tpu.memref_squeeze %dma_start3A_827 : memref<1x50xi32, #tpu.memory_space<vmem>> -> memref<50xi32, #tpu.memory_space<vmem>>
      %dma_start3A_829 = arith.constant 0 : i32
      %dma_start3A_830 = arith.constant 0 : i32
      %dma_start3A_831 = tpu.memref_slice %arg3[%dma_start3A_829, %dma_start3A_830] : memref<100000x128xf32, #tpu.memory_space<hbm>> -> memref<100000x128xf32, #tpu.memory_space<hbm>>
      tpu.enqueue_indirect_dma source(%dma_start3A_831 : memref<100000x128xf32, #tpu.memory_space<hbm>>) target(%dma_start3A_825 : memref<50x128xf32, #tpu.memory_space<vmem>>) offsets(%dma_start3A_828 : memref<50xi32, #tpu.memory_space<vmem>>) semaphore(%arg10 : memref<!tpu.dma_semaphore, #tpu.memory_space<semaphore_mem>>)
      %mul3A_832 = arith.constant 4 : i32
      %mul3A_833 = arith.muli %add3A_786, %mul3A_832 : i32
      %add3A_834 = arith.constant 3 : i32
      %add3A_835 = arith.addi %mul3A_833, %add3A_834 : i32
      %dma_start3A_836 = arith.constant 3 : i32
      %dma_start3A_837 = arith.constant 150 : i32
      %dma_start3A_838 = arith.constant 0 : i32
      %dma_start3A_839 = tpu.memref_slice %arg6[%dma_start3A_836, %dma_start3A_837, %dma_start3A_838] : memref<4x200x128xf32, #tpu.memory_space<vmem>> -> memref<1x50x128xf32, #tpu.memory_space<vmem>>
      %dma_start3A_840 = tpu.memref_squeeze %dma_start3A_839 : memref<1x50x128xf32, #tpu.memory_space<vmem>> -> memref<50x128xf32, #tpu.memory_space<vmem>>
      %dma_start3A_841 = arith.constant 0 : i32
      %dma_start3A_842 = tpu.memref_slice %arg5[%add3A_835, %dma_start3A_841] : memref<128x50xi32, #tpu.memory_space<vmem>> -> memref<1x50xi32, #tpu.memory_space<vmem>>
      %dma_start3A_843 = tpu.memref_squeeze %dma_start3A_842 : memref<1x50xi32, #tpu.memory_space<vmem>> -> memref<50xi32, #tpu.memory_space<vmem>>
      %dma_start3A_844 = arith.constant 0 : i32
      %dma_start3A_845 = arith.constant 0 : i32
      %dma_start3A_846 = tpu.memref_slice %arg3[%dma_start3A_844, %dma_start3A_845] : memref<100000x128xf32, #tpu.memory_space<hbm>> -> memref<100000x128xf32, #tpu.memory_space<hbm>>
      tpu.enqueue_indirect_dma source(%dma_start3A_846 : memref<100000x128xf32, #tpu.memory_space<hbm>>) target(%dma_start3A_840 : memref<50x128xf32, #tpu.memory_space<vmem>>) offsets(%dma_start3A_843 : memref<50xi32, #tpu.memory_space<vmem>>) semaphore(%arg10 : memref<!tpu.dma_semaphore, #tpu.memory_space<semaphore_mem>>)
      %add3A_847 = arith.constant 1 : i32
      %add3A_848 = arith.addi %mul3A_738, %add3A_847 : i32
      %dma_wait3A_849 = arith.constant 1 : i32
      %dma_wait3A_850 = arith.constant 0 : i32
      %dma_wait3A_851 = arith.constant 0 : i32
      %dma_wait3A_852 = tpu.memref_slice %arg6[%dma_wait3A_849, %dma_wait3A_850, %dma_wait3A_851] : memref<4x200x128xf32, #tpu.memory_space<vmem>> -> memref<1x200x128xf32, #tpu.memory_space<vmem>>
      %dma_wait3A_853 = tpu.memref_squeeze %dma_wait3A_852 : memref<1x200x128xf32, #tpu.memory_space<vmem>> -> memref<200x128xf32, #tpu.memory_space<vmem>>
      %dma_wait3A_854 = arith.constant 0 : i32
      %dma_wait3A_855 = arith.constant 0 : i32
      %dma_wait3A_856 = tpu.memref_slice %arg3[%dma_wait3A_854, %dma_wait3A_855] : memref<100000x128xf32, #tpu.memory_space<hbm>> -> memref<200x128xf32, #tpu.memory_space<hbm>>
      %dma_wait3A_857 = arith.constant 0 : i32
      %dma_wait3A_858 = arith.constant 0 : i32
      %dma_wait3A_859 = tpu.memref_slice %arg6[%dma_wait3A_849, %dma_wait3A_857, %dma_wait3A_858] : memref<4x200x128xf32, #tpu.memory_space<vmem>> -> memref<1x200x128xf32, #tpu.memory_space<vmem>>
      %dma_wait3A_860 = tpu.memref_squeeze %dma_wait3A_859 : memref<1x200x128xf32, #tpu.memory_space<vmem>> -> memref<200x128xf32, #tpu.memory_space<vmem>>
      %dma_wait3A_861 = arith.constant 0 : i32
      %dma_wait3A_862 = arith.constant 0 : i32
      %dma_wait3A_863 = tpu.memref_slice %arg3[%dma_wait3A_861, %dma_wait3A_862] : memref<100000x128xf32, #tpu.memory_space<hbm>> -> memref<200x128xf32, #tpu.memory_space<hbm>>
      tpu.wait_dma2 semaphore(%arg8 : memref<!tpu.dma_semaphore, #tpu.memory_space<semaphore_mem>>) src(%dma_wait3A_863 : memref<200x128xf32, #tpu.memory_space<hbm>>) dst(%dma_wait3A_860 : memref<200x128xf32, #tpu.memory_space<vmem>>)
      %mul3A_864 = arith.constant 200 : i32
      %mul3A_865 = arith.muli %add3A_848, %mul3A_864 : i32
      %add3A_866 = arith.addi %mul3A_2, %mul3A_865 : i32
      %dma_start3A_867 = arith.constant 1 : i32
      %dma_start3A_868 = arith.constant 0 : i32
      %dma_start3A_869 = arith.constant 0 : i32
      %dma_start3A_870 = tpu.memref_slice %arg6[%dma_start3A_867, %dma_start3A_868, %dma_start3A_869] : memref<4x200x128xf32, #tpu.memory_space<vmem>> -> memref<1x200x128xf32, #tpu.memory_space<vmem>>
      %dma_start3A_871 = tpu.memref_squeeze %dma_start3A_870 : memref<1x200x128xf32, #tpu.memory_space<vmem>> -> memref<200x128xf32, #tpu.memory_space<vmem>>
      %dma_start3A_872 = arith.constant 0 : i32
      %dma_start3A_873 = tpu.memref_slice %arg4[%add3A_866, %dma_start3A_872] : memref<204800x128xf32, #tpu.memory_space<hbm>> -> memref<200x128xf32, #tpu.memory_space<hbm>>
      %dma_start3A_874 = arith.constant 0 : i32
      %dma_start3A_875 = tpu.memref_slice %arg4[%add3A_866, %dma_start3A_874] : memref<204800x128xf32, #tpu.memory_space<hbm>> -> memref<200x128xf32, #tpu.memory_space<hbm>>
      %dma_start3A_876 = arith.constant 0 : i32
      %dma_start3A_877 = arith.constant 0 : i32
      %dma_start3A_878 = tpu.memref_slice %arg6[%dma_start3A_867, %dma_start3A_876, %dma_start3A_877] : memref<4x200x128xf32, #tpu.memory_space<vmem>> -> memref<1x200x128xf32, #tpu.memory_space<vmem>>
      %dma_start3A_879 = tpu.memref_squeeze %dma_start3A_878 : memref<1x200x128xf32, #tpu.memory_space<vmem>> -> memref<200x128xf32, #tpu.memory_space<vmem>>
      tpu.enqueue_dma source(%dma_start3A_879 : memref<200x128xf32, #tpu.memory_space<vmem>>) target(%dma_start3A_875 : memref<200x128xf32, #tpu.memory_space<hbm>>) target_semaphore(%arg12 : memref<!tpu.dma_semaphore, #tpu.memory_space<semaphore_mem>>)
      %dma_wait3A_880 = arith.constant 0 : i32
      %dma_wait3A_881 = arith.constant 0 : i32
      %dma_wait3A_882 = arith.constant 0 : i32
      %dma_wait3A_883 = tpu.memref_slice %arg6[%dma_wait3A_880, %dma_wait3A_881, %dma_wait3A_882] : memref<4x200x128xf32, #tpu.memory_space<vmem>> -> memref<1x200x128xf32, #tpu.memory_space<vmem>>
      %dma_wait3A_884 = tpu.memref_squeeze %dma_wait3A_883 : memref<1x200x128xf32, #tpu.memory_space<vmem>> -> memref<200x128xf32, #tpu.memory_space<vmem>>
      %dma_wait3A_885 = arith.constant 0 : i32
      %dma_wait3A_886 = tpu.memref_slice %arg4[%mul3A_2, %dma_wait3A_885] : memref<204800x128xf32, #tpu.memory_space<hbm>> -> memref<200x128xf32, #tpu.memory_space<hbm>>
      %dma_wait3A_887 = arith.constant 0 : i32
      %dma_wait3A_888 = tpu.memref_slice %arg4[%mul3A_2, %dma_wait3A_887] : memref<204800x128xf32, #tpu.memory_space<hbm>> -> memref<200x128xf32, #tpu.memory_space<hbm>>
      %dma_wait3A_889 = arith.constant 0 : i32
      %dma_wait3A_890 = arith.constant 0 : i32
      %dma_wait3A_891 = tpu.memref_slice %arg6[%dma_wait3A_880, %dma_wait3A_889, %dma_wait3A_890] : memref<4x200x128xf32, #tpu.memory_space<vmem>> -> memref<1x200x128xf32, #tpu.memory_space<vmem>>
      %dma_wait3A_892 = tpu.memref_squeeze %dma_wait3A_891 : memref<1x200x128xf32, #tpu.memory_space<vmem>> -> memref<200x128xf32, #tpu.memory_space<vmem>>
      tpu.wait_dma2 semaphore(%arg11 : memref<!tpu.dma_semaphore, #tpu.memory_space<semaphore_mem>>) src(%dma_wait3A_892 : memref<200x128xf32, #tpu.memory_space<vmem>>) dst(%dma_wait3A_888 : memref<200x128xf32, #tpu.memory_space<hbm>>)
      %add3A_893 = arith.constant 3 : i32
      %add3A_894 = arith.addi %add3A_848, %add3A_893 : i32
      %mul3A_895 = arith.constant 4 : i32
      %mul3A_896 = arith.muli %add3A_894, %mul3A_895 : i32
      %add3A_897 = arith.constant 0 : i32
      %add3A_898 = arith.addi %mul3A_896, %add3A_897 : i32
      %dma_start3A_899 = arith.constant 0 : i32
      %dma_start3A_900 = arith.constant 0 : i32
      %dma_start3A_901 = arith.constant 0 : i32
      %dma_start3A_902 = tpu.memref_slice %arg6[%dma_start3A_899, %dma_start3A_900, %dma_start3A_901] : memref<4x200x128xf32, #tpu.memory_space<vmem>> -> memref<1x50x128xf32, #tpu.memory_space<vmem>>
      %dma_start3A_903 = tpu.memref_squeeze %dma_start3A_902 : memref<1x50x128xf32, #tpu.memory_space<vmem>> -> memref<50x128xf32, #tpu.memory_space<vmem>>
      %dma_start3A_904 = arith.constant 0 : i32
      %dma_start3A_905 = tpu.memref_slice %arg5[%add3A_898, %dma_start3A_904] : memref<128x50xi32, #tpu.memory_space<vmem>> -> memref<1x50xi32, #tpu.memory_space<vmem>>
      %dma_start3A_906 = tpu.memref_squeeze %dma_start3A_905 : memref<1x50xi32, #tpu.memory_space<vmem>> -> memref<50xi32, #tpu.memory_space<vmem>>
      %dma_start3A_907 = arith.constant 0 : i32
      %dma_start3A_908 = arith.constant 0 : i32
      %dma_start3A_909 = tpu.memref_slice %arg3[%dma_start3A_907, %dma_start3A_908] : memref<100000x128xf32, #tpu.memory_space<hbm>> -> memref<100000x128xf32, #tpu.memory_space<hbm>>
      tpu.enqueue_indirect_dma source(%dma_start3A_909 : memref<100000x128xf32, #tpu.memory_space<hbm>>) target(%dma_start3A_903 : memref<50x128xf32, #tpu.memory_space<vmem>>) offsets(%dma_start3A_906 : memref<50xi32, #tpu.memory_space<vmem>>) semaphore(%arg7 : memref<!tpu.dma_semaphore, #tpu.memory_space<semaphore_mem>>)
      %mul3A_910 = arith.constant 4 : i32
      %mul3A_911 = arith.muli %add3A_894, %mul3A_910 : i32
      %add3A_912 = arith.constant 1 : i32
      %add3A_913 = arith.addi %mul3A_911, %add3A_912 : i32
      %dma_start3A_914 = arith.constant 0 : i32
      %dma_start3A_915 = arith.constant 50 : i32
      %dma_start3A_916 = arith.constant 0 : i32
      %dma_start3A_917 = tpu.memref_slice %arg6[%dma_start3A_914, %dma_start3A_915, %dma_start3A_916] : memref<4x200x128xf32, #tpu.memory_space<vmem>> -> memref<1x50x128xf32, #tpu.memory_space<vmem>>
      %dma_start3A_918 = tpu.memref_squeeze %dma_start3A_917 : memref<1x50x128xf32, #tpu.memory_space<vmem>> -> memref<50x128xf32, #tpu.memory_space<vmem>>
      %dma_start3A_919 = arith.constant 0 : i32
      %dma_start3A_920 = tpu.memref_slice %arg5[%add3A_913, %dma_start3A_919] : memref<128x50xi32, #tpu.memory_space<vmem>> -> memref<1x50xi32, #tpu.memory_space<vmem>>
      %dma_start3A_921 = tpu.memref_squeeze %dma_start3A_920 : memref<1x50xi32, #tpu.memory_space<vmem>> -> memref<50xi32, #tpu.memory_space<vmem>>
      %dma_start3A_922 = arith.constant 0 : i32
      %dma_start3A_923 = arith.constant 0 : i32
      %dma_start3A_924 = tpu.memref_slice %arg3[%dma_start3A_922, %dma_start3A_923] : memref<100000x128xf32, #tpu.memory_space<hbm>> -> memref<100000x128xf32, #tpu.memory_space<hbm>>
      tpu.enqueue_indirect_dma source(%dma_start3A_924 : memref<100000x128xf32, #tpu.memory_space<hbm>>) target(%dma_start3A_918 : memref<50x128xf32, #tpu.memory_space<vmem>>) offsets(%dma_start3A_921 : memref<50xi32, #tpu.memory_space<vmem>>) semaphore(%arg7 : memref<!tpu.dma_semaphore, #tpu.memory_space<semaphore_mem>>)
      %mul3A_925 = arith.constant 4 : i32
      %mul3A_926 = arith.muli %add3A_894, %mul3A_925 : i32
      %add3A_927 = arith.constant 2 : i32
      %add3A_928 = arith.addi %mul3A_926, %add3A_927 : i32
      %dma_start3A_929 = arith.constant 0 : i32
      %dma_start3A_930 = arith.constant 100 : i32
      %dma_start3A_931 = arith.constant 0 : i32
      %dma_start3A_932 = tpu.memref_slice %arg6[%dma_start3A_929, %dma_start3A_930, %dma_start3A_931] : memref<4x200x128xf32, #tpu.memory_space<vmem>> -> memref<1x50x128xf32, #tpu.memory_space<vmem>>
      %dma_start3A_933 = tpu.memref_squeeze %dma_start3A_932 : memref<1x50x128xf32, #tpu.memory_space<vmem>> -> memref<50x128xf32, #tpu.memory_space<vmem>>
      %dma_start3A_934 = arith.constant 0 : i32
      %dma_start3A_935 = tpu.memref_slice %arg5[%add3A_928, %dma_start3A_934] : memref<128x50xi32, #tpu.memory_space<vmem>> -> memref<1x50xi32, #tpu.memory_space<vmem>>
      %dma_start3A_936 = tpu.memref_squeeze %dma_start3A_935 : memref<1x50xi32, #tpu.memory_space<vmem>> -> memref<50xi32, #tpu.memory_space<vmem>>
      %dma_start3A_937 = arith.constant 0 : i32
      %dma_start3A_938 = arith.constant 0 : i32
      %dma_start3A_939 = tpu.memref_slice %arg3[%dma_start3A_937, %dma_start3A_938] : memref<100000x128xf32, #tpu.memory_space<hbm>> -> memref<100000x128xf32, #tpu.memory_space<hbm>>
      tpu.enqueue_indirect_dma source(%dma_start3A_939 : memref<100000x128xf32, #tpu.memory_space<hbm>>) target(%dma_start3A_933 : memref<50x128xf32, #tpu.memory_space<vmem>>) offsets(%dma_start3A_936 : memref<50xi32, #tpu.memory_space<vmem>>) semaphore(%arg7 : memref<!tpu.dma_semaphore, #tpu.memory_space<semaphore_mem>>)
      %mul3A_940 = arith.constant 4 : i32
      %mul3A_941 = arith.muli %add3A_894, %mul3A_940 : i32
      %add3A_942 = arith.constant 3 : i32
      %add3A_943 = arith.addi %mul3A_941, %add3A_942 : i32
      %dma_start3A_944 = arith.constant 0 : i32
      %dma_start3A_945 = arith.constant 150 : i32
      %dma_start3A_946 = arith.constant 0 : i32
      %dma_start3A_947 = tpu.memref_slice %arg6[%dma_start3A_944, %dma_start3A_945, %dma_start3A_946] : memref<4x200x128xf32, #tpu.memory_space<vmem>> -> memref<1x50x128xf32, #tpu.memory_space<vmem>>
      %dma_start3A_948 = tpu.memref_squeeze %dma_start3A_947 : memref<1x50x128xf32, #tpu.memory_space<vmem>> -> memref<50x128xf32, #tpu.memory_space<vmem>>
      %dma_start3A_949 = arith.constant 0 : i32
      %dma_start3A_950 = tpu.memref_slice %arg5[%add3A_943, %dma_start3A_949] : memref<128x50xi32, #tpu.memory_space<vmem>> -> memref<1x50xi32, #tpu.memory_space<vmem>>
      %dma_start3A_951 = tpu.memref_squeeze %dma_start3A_950 : memref<1x50xi32, #tpu.memory_space<vmem>> -> memref<50xi32, #tpu.memory_space<vmem>>
      %dma_start3A_952 = arith.constant 0 : i32
      %dma_start3A_953 = arith.constant 0 : i32
      %dma_start3A_954 = tpu.memref_slice %arg3[%dma_start3A_952, %dma_start3A_953] : memref<100000x128xf32, #tpu.memory_space<hbm>> -> memref<100000x128xf32, #tpu.memory_space<hbm>>
      tpu.enqueue_indirect_dma source(%dma_start3A_954 : memref<100000x128xf32, #tpu.memory_space<hbm>>) target(%dma_start3A_948 : memref<50x128xf32, #tpu.memory_space<vmem>>) offsets(%dma_start3A_951 : memref<50xi32, #tpu.memory_space<vmem>>) semaphore(%arg7 : memref<!tpu.dma_semaphore, #tpu.memory_space<semaphore_mem>>)
      %add3A_955 = arith.constant 2 : i32
      %add3A_956 = arith.addi %mul3A_738, %add3A_955 : i32
      %dma_wait3A_957 = arith.constant 2 : i32
      %dma_wait3A_958 = arith.constant 0 : i32
      %dma_wait3A_959 = arith.constant 0 : i32
      %dma_wait3A_960 = tpu.memref_slice %arg6[%dma_wait3A_957, %dma_wait3A_958, %dma_wait3A_959] : memref<4x200x128xf32, #tpu.memory_space<vmem>> -> memref<1x200x128xf32, #tpu.memory_space<vmem>>
      %dma_wait3A_961 = tpu.memref_squeeze %dma_wait3A_960 : memref<1x200x128xf32, #tpu.memory_space<vmem>> -> memref<200x128xf32, #tpu.memory_space<vmem>>
      %dma_wait3A_962 = arith.constant 0 : i32
      %dma_wait3A_963 = arith.constant 0 : i32
      %dma_wait3A_964 = tpu.memref_slice %arg3[%dma_wait3A_962, %dma_wait3A_963] : memref<100000x128xf32, #tpu.memory_space<hbm>> -> memref<200x128xf32, #tpu.memory_space<hbm>>
      %dma_wait3A_965 = arith.constant 0 : i32
      %dma_wait3A_966 = arith.constant 0 : i32
      %dma_wait3A_967 = tpu.memref_slice %arg6[%dma_wait3A_957, %dma_wait3A_965, %dma_wait3A_966] : memref<4x200x128xf32, #tpu.memory_space<vmem>> -> memref<1x200x128xf32, #tpu.memory_space<vmem>>
      %dma_wait3A_968 = tpu.memref_squeeze %dma_wait3A_967 : memref<1x200x128xf32, #tpu.memory_space<vmem>> -> memref<200x128xf32, #tpu.memory_space<vmem>>
      %dma_wait3A_969 = arith.constant 0 : i32
      %dma_wait3A_970 = arith.constant 0 : i32
      %dma_wait3A_971 = tpu.memref_slice %arg3[%dma_wait3A_969, %dma_wait3A_970] : memref<100000x128xf32, #tpu.memory_space<hbm>> -> memref<200x128xf32, #tpu.memory_space<hbm>>
      tpu.wait_dma2 semaphore(%arg9 : memref<!tpu.dma_semaphore, #tpu.memory_space<semaphore_mem>>) src(%dma_wait3A_971 : memref<200x128xf32, #tpu.memory_space<hbm>>) dst(%dma_wait3A_968 : memref<200x128xf32, #tpu.memory_space<vmem>>)
      %mul3A_972 = arith.constant 200 : i32
      %mul3A_973 = arith.muli %add3A_956, %mul3A_972 : i32
      %add3A_974 = arith.addi %mul3A_2, %mul3A_973 : i32
      %dma_start3A_975 = arith.constant 2 : i32
      %dma_start3A_976 = arith.constant 0 : i32
      %dma_start3A_977 = arith.constant 0 : i32
      %dma_start3A_978 = tpu.memref_slice %arg6[%dma_start3A_975, %dma_start3A_976, %dma_start3A_977] : memref<4x200x128xf32, #tpu.memory_space<vmem>> -> memref<1x200x128xf32, #tpu.memory_space<vmem>>
      %dma_start3A_979 = tpu.memref_squeeze %dma_start3A_978 : memref<1x200x128xf32, #tpu.memory_space<vmem>> -> memref<200x128xf32, #tpu.memory_space<vmem>>
      %dma_start3A_980 = arith.constant 0 : i32
      %dma_start3A_981 = tpu.memref_slice %arg4[%add3A_974, %dma_start3A_980] : memref<204800x128xf32, #tpu.memory_space<hbm>> -> memref<200x128xf32, #tpu.memory_space<hbm>>
      %dma_start3A_982 = arith.constant 0 : i32
      %dma_start3A_983 = tpu.memref_slice %arg4[%add3A_974, %dma_start3A_982] : memref<204800x128xf32, #tpu.memory_space<hbm>> -> memref<200x128xf32, #tpu.memory_space<hbm>>
      %dma_start3A_984 = arith.constant 0 : i32
      %dma_start3A_985 = arith.constant 0 : i32
      %dma_start3A_986 = tpu.memref_slice %arg6[%dma_start3A_975, %dma_start3A_984, %dma_start3A_985] : memref<4x200x128xf32, #tpu.memory_space<vmem>> -> memref<1x200x128xf32, #tpu.memory_space<vmem>>
      %dma_start3A_987 = tpu.memref_squeeze %dma_start3A_986 : memref<1x200x128xf32, #tpu.memory_space<vmem>> -> memref<200x128xf32, #tpu.memory_space<vmem>>
      tpu.enqueue_dma source(%dma_start3A_987 : memref<200x128xf32, #tpu.memory_space<vmem>>) target(%dma_start3A_983 : memref<200x128xf32, #tpu.memory_space<hbm>>) target_semaphore(%arg13 : memref<!tpu.dma_semaphore, #tpu.memory_space<semaphore_mem>>)
      %dma_wait3A_988 = arith.constant 1 : i32
      %dma_wait3A_989 = arith.constant 0 : i32
      %dma_wait3A_990 = arith.constant 0 : i32
      %dma_wait3A_991 = tpu.memref_slice %arg6[%dma_wait3A_988, %dma_wait3A_989, %dma_wait3A_990] : memref<4x200x128xf32, #tpu.memory_space<vmem>> -> memref<1x200x128xf32, #tpu.memory_space<vmem>>
      %dma_wait3A_992 = tpu.memref_squeeze %dma_wait3A_991 : memref<1x200x128xf32, #tpu.memory_space<vmem>> -> memref<200x128xf32, #tpu.memory_space<vmem>>
      %dma_wait3A_993 = arith.constant 0 : i32
      %dma_wait3A_994 = tpu.memref_slice %arg4[%mul3A_2, %dma_wait3A_993] : memref<204800x128xf32, #tpu.memory_space<hbm>> -> memref<200x128xf32, #tpu.memory_space<hbm>>
      %dma_wait3A_995 = arith.constant 0 : i32
      %dma_wait3A_996 = tpu.memref_slice %arg4[%mul3A_2, %dma_wait3A_995] : memref<204800x128xf32, #tpu.memory_space<hbm>> -> memref<200x128xf32, #tpu.memory_space<hbm>>
      %dma_wait3A_997 = arith.constant 0 : i32
      %dma_wait3A_998 = arith.constant 0 : i32
      %dma_wait3A_999 = tpu.memref_slice %arg6[%dma_wait3A_988, %dma_wait3A_997, %dma_wait3A_998] : memref<4x200x128xf32, #tpu.memory_space<vmem>> -> memref<1x200x128xf32, #tpu.memory_space<vmem>>
      %dma_wait3A_1000 = tpu.memref_squeeze %dma_wait3A_999 : memref<1x200x128xf32, #tpu.memory_space<vmem>> -> memref<200x128xf32, #tpu.memory_space<vmem>>
      tpu.wait_dma2 semaphore(%arg12 : memref<!tpu.dma_semaphore, #tpu.memory_space<semaphore_mem>>) src(%dma_wait3A_1000 : memref<200x128xf32, #tpu.memory_space<vmem>>) dst(%dma_wait3A_996 : memref<200x128xf32, #tpu.memory_space<hbm>>)
      %add3A_1001 = arith.constant 3 : i32
      %add3A_1002 = arith.addi %add3A_956, %add3A_1001 : i32
      %mul3A_1003 = arith.constant 4 : i32
      %mul3A_1004 = arith.muli %add3A_1002, %mul3A_1003 : i32
      %add3A_1005 = arith.constant 0 : i32
      %add3A_1006 = arith.addi %mul3A_1004, %add3A_1005 : i32
      %dma_start3A_1007 = arith.constant 1 : i32
      %dma_start3A_1008 = arith.constant 0 : i32
      %dma_start3A_1009 = arith.constant 0 : i32
      %dma_start3A_1010 = tpu.memref_slice %arg6[%dma_start3A_1007, %dma_start3A_1008, %dma_start3A_1009] : memref<4x200x128xf32, #tpu.memory_space<vmem>> -> memref<1x50x128xf32, #tpu.memory_space<vmem>>
      %dma_start3A_1011 = tpu.memref_squeeze %dma_start3A_1010 : memref<1x50x128xf32, #tpu.memory_space<vmem>> -> memref<50x128xf32, #tpu.memory_space<vmem>>
      %dma_start3A_1012 = arith.constant 0 : i32
      %dma_start3A_1013 = tpu.memref_slice %arg5[%add3A_1006, %dma_start3A_1012] : memref<128x50xi32, #tpu.memory_space<vmem>> -> memref<1x50xi32, #tpu.memory_space<vmem>>
      %dma_start3A_1014 = tpu.memref_squeeze %dma_start3A_1013 : memref<1x50xi32, #tpu.memory_space<vmem>> -> memref<50xi32, #tpu.memory_space<vmem>>
      %dma_start3A_1015 = arith.constant 0 : i32
      %dma_start3A_1016 = arith.constant 0 : i32
      %dma_start3A_1017 = tpu.memref_slice %arg3[%dma_start3A_1015, %dma_start3A_1016] : memref<100000x128xf32, #tpu.memory_space<hbm>> -> memref<100000x128xf32, #tpu.memory_space<hbm>>
      tpu.enqueue_indirect_dma source(%dma_start3A_1017 : memref<100000x128xf32, #tpu.memory_space<hbm>>) target(%dma_start3A_1011 : memref<50x128xf32, #tpu.memory_space<vmem>>) offsets(%dma_start3A_1014 : memref<50xi32, #tpu.memory_space<vmem>>) semaphore(%arg8 : memref<!tpu.dma_semaphore, #tpu.memory_space<semaphore_mem>>)
      %mul3A_1018 = arith.constant 4 : i32
      %mul3A_1019 = arith.muli %add3A_1002, %mul3A_1018 : i32
      %add3A_1020 = arith.constant 1 : i32
      %add3A_1021 = arith.addi %mul3A_1019, %add3A_1020 : i32
      %dma_start3A_1022 = arith.constant 1 : i32
      %dma_start3A_1023 = arith.constant 50 : i32
      %dma_start3A_1024 = arith.constant 0 : i32
      %dma_start3A_1025 = tpu.memref_slice %arg6[%dma_start3A_1022, %dma_start3A_1023, %dma_start3A_1024] : memref<4x200x128xf32, #tpu.memory_space<vmem>> -> memref<1x50x128xf32, #tpu.memory_space<vmem>>
      %dma_start3A_1026 = tpu.memref_squeeze %dma_start3A_1025 : memref<1x50x128xf32, #tpu.memory_space<vmem>> -> memref<50x128xf32, #tpu.memory_space<vmem>>
      %dma_start3A_1027 = arith.constant 0 : i32
      %dma_start3A_1028 = tpu.memref_slice %arg5[%add3A_1021, %dma_start3A_1027] : memref<128x50xi32, #tpu.memory_space<vmem>> -> memref<1x50xi32, #tpu.memory_space<vmem>>
      %dma_start3A_1029 = tpu.memref_squeeze %dma_start3A_1028 : memref<1x50xi32, #tpu.memory_space<vmem>> -> memref<50xi32, #tpu.memory_space<vmem>>
      %dma_start3A_1030 = arith.constant 0 : i32
      %dma_start3A_1031 = arith.constant 0 : i32
      %dma_start3A_1032 = tpu.memref_slice %arg3[%dma_start3A_1030, %dma_start3A_1031] : memref<100000x128xf32, #tpu.memory_space<hbm>> -> memref<100000x128xf32, #tpu.memory_space<hbm>>
      tpu.enqueue_indirect_dma source(%dma_start3A_1032 : memref<100000x128xf32, #tpu.memory_space<hbm>>) target(%dma_start3A_1026 : memref<50x128xf32, #tpu.memory_space<vmem>>) offsets(%dma_start3A_1029 : memref<50xi32, #tpu.memory_space<vmem>>) semaphore(%arg8 : memref<!tpu.dma_semaphore, #tpu.memory_space<semaphore_mem>>)
      %mul3A_1033 = arith.constant 4 : i32
      %mul3A_1034 = arith.muli %add3A_1002, %mul3A_1033 : i32
      %add3A_1035 = arith.constant 2 : i32
      %add3A_1036 = arith.addi %mul3A_1034, %add3A_1035 : i32
      %dma_start3A_1037 = arith.constant 1 : i32
      %dma_start3A_1038 = arith.constant 100 : i32
      %dma_start3A_1039 = arith.constant 0 : i32
      %dma_start3A_1040 = tpu.memref_slice %arg6[%dma_start3A_1037, %dma_start3A_1038, %dma_start3A_1039] : memref<4x200x128xf32, #tpu.memory_space<vmem>> -> memref<1x50x128xf32, #tpu.memory_space<vmem>>
      %dma_start3A_1041 = tpu.memref_squeeze %dma_start3A_1040 : memref<1x50x128xf32, #tpu.memory_space<vmem>> -> memref<50x128xf32, #tpu.memory_space<vmem>>
      %dma_start3A_1042 = arith.constant 0 : i32
      %dma_start3A_1043 = tpu.memref_slice %arg5[%add3A_1036, %dma_start3A_1042] : memref<128x50xi32, #tpu.memory_space<vmem>> -> memref<1x50xi32, #tpu.memory_space<vmem>>
      %dma_start3A_1044 = tpu.memref_squeeze %dma_start3A_1043 : memref<1x50xi32, #tpu.memory_space<vmem>> -> memref<50xi32, #tpu.memory_space<vmem>>
      %dma_start3A_1045 = arith.constant 0 : i32
      %dma_start3A_1046 = arith.constant 0 : i32
      %dma_start3A_1047 = tpu.memref_slice %arg3[%dma_start3A_1045, %dma_start3A_1046] : memref<100000x128xf32, #tpu.memory_space<hbm>> -> memref<100000x128xf32, #tpu.memory_space<hbm>>
      tpu.enqueue_indirect_dma source(%dma_start3A_1047 : memref<100000x128xf32, #tpu.memory_space<hbm>>) target(%dma_start3A_1041 : memref<50x128xf32, #tpu.memory_space<vmem>>) offsets(%dma_start3A_1044 : memref<50xi32, #tpu.memory_space<vmem>>) semaphore(%arg8 : memref<!tpu.dma_semaphore, #tpu.memory_space<semaphore_mem>>)
      %mul3A_1048 = arith.constant 4 : i32
      %mul3A_1049 = arith.muli %add3A_1002, %mul3A_1048 : i32
      %add3A_1050 = arith.constant 3 : i32
      %add3A_1051 = arith.addi %mul3A_1049, %add3A_1050 : i32
      %dma_start3A_1052 = arith.constant 1 : i32
      %dma_start3A_1053 = arith.constant 150 : i32
      %dma_start3A_1054 = arith.constant 0 : i32
      %dma_start3A_1055 = tpu.memref_slice %arg6[%dma_start3A_1052, %dma_start3A_1053, %dma_start3A_1054] : memref<4x200x128xf32, #tpu.memory_space<vmem>> -> memref<1x50x128xf32, #tpu.memory_space<vmem>>
      %dma_start3A_1056 = tpu.memref_squeeze %dma_start3A_1055 : memref<1x50x128xf32, #tpu.memory_space<vmem>> -> memref<50x128xf32, #tpu.memory_space<vmem>>
      %dma_start3A_1057 = arith.constant 0 : i32
      %dma_start3A_1058 = tpu.memref_slice %arg5[%add3A_1051, %dma_start3A_1057] : memref<128x50xi32, #tpu.memory_space<vmem>> -> memref<1x50xi32, #tpu.memory_space<vmem>>
      %dma_start3A_1059 = tpu.memref_squeeze %dma_start3A_1058 : memref<1x50xi32, #tpu.memory_space<vmem>> -> memref<50xi32, #tpu.memory_space<vmem>>
      %dma_start3A_1060 = arith.constant 0 : i32
      %dma_start3A_1061 = arith.constant 0 : i32
      %dma_start3A_1062 = tpu.memref_slice %arg3[%dma_start3A_1060, %dma_start3A_1061] : memref<100000x128xf32, #tpu.memory_space<hbm>> -> memref<100000x128xf32, #tpu.memory_space<hbm>>
      tpu.enqueue_indirect_dma source(%dma_start3A_1062 : memref<100000x128xf32, #tpu.memory_space<hbm>>) target(%dma_start3A_1056 : memref<50x128xf32, #tpu.memory_space<vmem>>) offsets(%dma_start3A_1059 : memref<50xi32, #tpu.memory_space<vmem>>) semaphore(%arg8 : memref<!tpu.dma_semaphore, #tpu.memory_space<semaphore_mem>>)
      %add3A_1063 = arith.constant 3 : i32
      %add3A_1064 = arith.addi %mul3A_738, %add3A_1063 : i32
      %dma_wait3A_1065 = arith.constant 3 : i32
      %dma_wait3A_1066 = arith.constant 0 : i32
      %dma_wait3A_1067 = arith.constant 0 : i32
      %dma_wait3A_1068 = tpu.memref_slice %arg6[%dma_wait3A_1065, %dma_wait3A_1066, %dma_wait3A_1067] : memref<4x200x128xf32, #tpu.memory_space<vmem>> -> memref<1x200x128xf32, #tpu.memory_space<vmem>>
      %dma_wait3A_1069 = tpu.memref_squeeze %dma_wait3A_1068 : memref<1x200x128xf32, #tpu.memory_space<vmem>> -> memref<200x128xf32, #tpu.memory_space<vmem>>
      %dma_wait3A_1070 = arith.constant 0 : i32
      %dma_wait3A_1071 = arith.constant 0 : i32
      %dma_wait3A_1072 = tpu.memref_slice %arg3[%dma_wait3A_1070, %dma_wait3A_1071] : memref<100000x128xf32, #tpu.memory_space<hbm>> -> memref<200x128xf32, #tpu.memory_space<hbm>>
      %dma_wait3A_1073 = arith.constant 0 : i32
      %dma_wait3A_1074 = arith.constant 0 : i32
      %dma_wait3A_1075 = tpu.memref_slice %arg6[%dma_wait3A_1065, %dma_wait3A_1073, %dma_wait3A_1074] : memref<4x200x128xf32, #tpu.memory_space<vmem>> -> memref<1x200x128xf32, #tpu.memory_space<vmem>>
      %dma_wait3A_1076 = tpu.memref_squeeze %dma_wait3A_1075 : memref<1x200x128xf32, #tpu.memory_space<vmem>> -> memref<200x128xf32, #tpu.memory_space<vmem>>
      %dma_wait3A_1077 = arith.constant 0 : i32
      %dma_wait3A_1078 = arith.constant 0 : i32
      %dma_wait3A_1079 = tpu.memref_slice %arg3[%dma_wait3A_1077, %dma_wait3A_1078] : memref<100000x128xf32, #tpu.memory_space<hbm>> -> memref<200x128xf32, #tpu.memory_space<hbm>>
      tpu.wait_dma2 semaphore(%arg10 : memref<!tpu.dma_semaphore, #tpu.memory_space<semaphore_mem>>) src(%dma_wait3A_1079 : memref<200x128xf32, #tpu.memory_space<hbm>>) dst(%dma_wait3A_1076 : memref<200x128xf32, #tpu.memory_space<vmem>>)
      %mul3A_1080 = arith.constant 200 : i32
      %mul3A_1081 = arith.muli %add3A_1064, %mul3A_1080 : i32
      %add3A_1082 = arith.addi %mul3A_2, %mul3A_1081 : i32
      %dma_start3A_1083 = arith.constant 3 : i32
      %dma_start3A_1084 = arith.constant 0 : i32
      %dma_start3A_1085 = arith.constant 0 : i32
      %dma_start3A_1086 = tpu.memref_slice %arg6[%dma_start3A_1083, %dma_start3A_1084, %dma_start3A_1085] : memref<4x200x128xf32, #tpu.memory_space<vmem>> -> memref<1x200x128xf32, #tpu.memory_space<vmem>>
      %dma_start3A_1087 = tpu.memref_squeeze %dma_start3A_1086 : memref<1x200x128xf32, #tpu.memory_space<vmem>> -> memref<200x128xf32, #tpu.memory_space<vmem>>
      %dma_start3A_1088 = arith.constant 0 : i32
      %dma_start3A_1089 = tpu.memref_slice %arg4[%add3A_1082, %dma_start3A_1088] : memref<204800x128xf32, #tpu.memory_space<hbm>> -> memref<200x128xf32, #tpu.memory_space<hbm>>
      %dma_start3A_1090 = arith.constant 0 : i32
      %dma_start3A_1091 = tpu.memref_slice %arg4[%add3A_1082, %dma_start3A_1090] : memref<204800x128xf32, #tpu.memory_space<hbm>> -> memref<200x128xf32, #tpu.memory_space<hbm>>
      %dma_start3A_1092 = arith.constant 0 : i32
      %dma_start3A_1093 = arith.constant 0 : i32
      %dma_start3A_1094 = tpu.memref_slice %arg6[%dma_start3A_1083, %dma_start3A_1092, %dma_start3A_1093] : memref<4x200x128xf32, #tpu.memory_space<vmem>> -> memref<1x200x128xf32, #tpu.memory_space<vmem>>
      %dma_start3A_1095 = tpu.memref_squeeze %dma_start3A_1094 : memref<1x200x128xf32, #tpu.memory_space<vmem>> -> memref<200x128xf32, #tpu.memory_space<vmem>>
      tpu.enqueue_dma source(%dma_start3A_1095 : memref<200x128xf32, #tpu.memory_space<vmem>>) target(%dma_start3A_1091 : memref<200x128xf32, #tpu.memory_space<hbm>>) target_semaphore(%arg14 : memref<!tpu.dma_semaphore, #tpu.memory_space<semaphore_mem>>)
      %dma_wait3A_1096 = arith.constant 2 : i32
      %dma_wait3A_1097 = arith.constant 0 : i32
      %dma_wait3A_1098 = arith.constant 0 : i32
      %dma_wait3A_1099 = tpu.memref_slice %arg6[%dma_wait3A_1096, %dma_wait3A_1097, %dma_wait3A_1098] : memref<4x200x128xf32, #tpu.memory_space<vmem>> -> memref<1x200x128xf32, #tpu.memory_space<vmem>>
      %dma_wait3A_1100 = tpu.memref_squeeze %dma_wait3A_1099 : memref<1x200x128xf32, #tpu.memory_space<vmem>> -> memref<200x128xf32, #tpu.memory_space<vmem>>
      %dma_wait3A_1101 = arith.constant 0 : i32
      %dma_wait3A_1102 = tpu.memref_slice %arg4[%mul3A_2, %dma_wait3A_1101] : memref<204800x128xf32, #tpu.memory_space<hbm>> -> memref<200x128xf32, #tpu.memory_space<hbm>>
      %dma_wait3A_1103 = arith.constant 0 : i32
      %dma_wait3A_1104 = tpu.memref_slice %arg4[%mul3A_2, %dma_wait3A_1103] : memref<204800x128xf32, #tpu.memory_space<hbm>> -> memref<200x128xf32, #tpu.memory_space<hbm>>
      %dma_wait3A_1105 = arith.constant 0 : i32
      %dma_wait3A_1106 = arith.constant 0 : i32
      %dma_wait3A_1107 = tpu.memref_slice %arg6[%dma_wait3A_1096, %dma_wait3A_1105, %dma_wait3A_1106] : memref<4x200x128xf32, #tpu.memory_space<vmem>> -> memref<1x200x128xf32, #tpu.memory_space<vmem>>
      %dma_wait3A_1108 = tpu.memref_squeeze %dma_wait3A_1107 : memref<1x200x128xf32, #tpu.memory_space<vmem>> -> memref<200x128xf32, #tpu.memory_space<vmem>>
      tpu.wait_dma2 semaphore(%arg13 : memref<!tpu.dma_semaphore, #tpu.memory_space<semaphore_mem>>) src(%dma_wait3A_1108 : memref<200x128xf32, #tpu.memory_space<vmem>>) dst(%dma_wait3A_1104 : memref<200x128xf32, #tpu.memory_space<hbm>>)
      %add3A_1109 = arith.constant 3 : i32
      %add3A_1110 = arith.addi %add3A_1064, %add3A_1109 : i32
      %mul3A_1111 = arith.constant 4 : i32
      %mul3A_1112 = arith.muli %add3A_1110, %mul3A_1111 : i32
      %add3A_1113 = arith.constant 0 : i32
      %add3A_1114 = arith.addi %mul3A_1112, %add3A_1113 : i32
      %dma_start3A_1115 = arith.constant 2 : i32
      %dma_start3A_1116 = arith.constant 0 : i32
      %dma_start3A_1117 = arith.constant 0 : i32
      %dma_start3A_1118 = tpu.memref_slice %arg6[%dma_start3A_1115, %dma_start3A_1116, %dma_start3A_1117] : memref<4x200x128xf32, #tpu.memory_space<vmem>> -> memref<1x50x128xf32, #tpu.memory_space<vmem>>
      %dma_start3A_1119 = tpu.memref_squeeze %dma_start3A_1118 : memref<1x50x128xf32, #tpu.memory_space<vmem>> -> memref<50x128xf32, #tpu.memory_space<vmem>>
      %dma_start3A_1120 = arith.constant 0 : i32
      %dma_start3A_1121 = tpu.memref_slice %arg5[%add3A_1114, %dma_start3A_1120] : memref<128x50xi32, #tpu.memory_space<vmem>> -> memref<1x50xi32, #tpu.memory_space<vmem>>
      %dma_start3A_1122 = tpu.memref_squeeze %dma_start3A_1121 : memref<1x50xi32, #tpu.memory_space<vmem>> -> memref<50xi32, #tpu.memory_space<vmem>>
      %dma_start3A_1123 = arith.constant 0 : i32
      %dma_start3A_1124 = arith.constant 0 : i32
      %dma_start3A_1125 = tpu.memref_slice %arg3[%dma_start3A_1123, %dma_start3A_1124] : memref<100000x128xf32, #tpu.memory_space<hbm>> -> memref<100000x128xf32, #tpu.memory_space<hbm>>
      tpu.enqueue_indirect_dma source(%dma_start3A_1125 : memref<100000x128xf32, #tpu.memory_space<hbm>>) target(%dma_start3A_1119 : memref<50x128xf32, #tpu.memory_space<vmem>>) offsets(%dma_start3A_1122 : memref<50xi32, #tpu.memory_space<vmem>>) semaphore(%arg9 : memref<!tpu.dma_semaphore, #tpu.memory_space<semaphore_mem>>)
      %mul3A_1126 = arith.constant 4 : i32
      %mul3A_1127 = arith.muli %add3A_1110, %mul3A_1126 : i32
      %add3A_1128 = arith.constant 1 : i32
      %add3A_1129 = arith.addi %mul3A_1127, %add3A_1128 : i32
      %dma_start3A_1130 = arith.constant 2 : i32
      %dma_start3A_1131 = arith.constant 50 : i32
      %dma_start3A_1132 = arith.constant 0 : i32
      %dma_start3A_1133 = tpu.memref_slice %arg6[%dma_start3A_1130, %dma_start3A_1131, %dma_start3A_1132] : memref<4x200x128xf32, #tpu.memory_space<vmem>> -> memref<1x50x128xf32, #tpu.memory_space<vmem>>
      %dma_start3A_1134 = tpu.memref_squeeze %dma_start3A_1133 : memref<1x50x128xf32, #tpu.memory_space<vmem>> -> memref<50x128xf32, #tpu.memory_space<vmem>>
      %dma_start3A_1135 = arith.constant 0 : i32
      %dma_start3A_1136 = tpu.memref_slice %arg5[%add3A_1129, %dma_start3A_1135] : memref<128x50xi32, #tpu.memory_space<vmem>> -> memref<1x50xi32, #tpu.memory_space<vmem>>
      %dma_start3A_1137 = tpu.memref_squeeze %dma_start3A_1136 : memref<1x50xi32, #tpu.memory_space<vmem>> -> memref<50xi32, #tpu.memory_space<vmem>>
      %dma_start3A_1138 = arith.constant 0 : i32
      %dma_start3A_1139 = arith.constant 0 : i32
      %dma_start3A_1140 = tpu.memref_slice %arg3[%dma_start3A_1138, %dma_start3A_1139] : memref<100000x128xf32, #tpu.memory_space<hbm>> -> memref<100000x128xf32, #tpu.memory_space<hbm>>
      tpu.enqueue_indirect_dma source(%dma_start3A_1140 : memref<100000x128xf32, #tpu.memory_space<hbm>>) target(%dma_start3A_1134 : memref<50x128xf32, #tpu.memory_space<vmem>>) offsets(%dma_start3A_1137 : memref<50xi32, #tpu.memory_space<vmem>>) semaphore(%arg9 : memref<!tpu.dma_semaphore, #tpu.memory_space<semaphore_mem>>)
      %mul3A_1141 = arith.constant 4 : i32
      %mul3A_1142 = arith.muli %add3A_1110, %mul3A_1141 : i32
      %add3A_1143 = arith.constant 2 : i32
      %add3A_1144 = arith.addi %mul3A_1142, %add3A_1143 : i32
      %dma_start3A_1145 = arith.constant 2 : i32
      %dma_start3A_1146 = arith.constant 100 : i32
      %dma_start3A_1147 = arith.constant 0 : i32
      %dma_start3A_1148 = tpu.memref_slice %arg6[%dma_start3A_1145, %dma_start3A_1146, %dma_start3A_1147] : memref<4x200x128xf32, #tpu.memory_space<vmem>> -> memref<1x50x128xf32, #tpu.memory_space<vmem>>
      %dma_start3A_1149 = tpu.memref_squeeze %dma_start3A_1148 : memref<1x50x128xf32, #tpu.memory_space<vmem>> -> memref<50x128xf32, #tpu.memory_space<vmem>>
      %dma_start3A_1150 = arith.constant 0 : i32
      %dma_start3A_1151 = tpu.memref_slice %arg5[%add3A_1144, %dma_start3A_1150] : memref<128x50xi32, #tpu.memory_space<vmem>> -> memref<1x50xi32, #tpu.memory_space<vmem>>
      %dma_start3A_1152 = tpu.memref_squeeze %dma_start3A_1151 : memref<1x50xi32, #tpu.memory_space<vmem>> -> memref<50xi32, #tpu.memory_space<vmem>>
      %dma_start3A_1153 = arith.constant 0 : i32
      %dma_start3A_1154 = arith.constant 0 : i32
      %dma_start3A_1155 = tpu.memref_slice %arg3[%dma_start3A_1153, %dma_start3A_1154] : memref<100000x128xf32, #tpu.memory_space<hbm>> -> memref<100000x128xf32, #tpu.memory_space<hbm>>
      tpu.enqueue_indirect_dma source(%dma_start3A_1155 : memref<100000x128xf32, #tpu.memory_space<hbm>>) target(%dma_start3A_1149 : memref<50x128xf32, #tpu.memory_space<vmem>>) offsets(%dma_start3A_1152 : memref<50xi32, #tpu.memory_space<vmem>>) semaphore(%arg9 : memref<!tpu.dma_semaphore, #tpu.memory_space<semaphore_mem>>)
      %mul3A_1156 = arith.constant 4 : i32
      %mul3A_1157 = arith.muli %add3A_1110, %mul3A_1156 : i32
      %add3A_1158 = arith.constant 3 : i32
      %add3A_1159 = arith.addi %mul3A_1157, %add3A_1158 : i32
      %dma_start3A_1160 = arith.constant 2 : i32
      %dma_start3A_1161 = arith.constant 150 : i32
      %dma_start3A_1162 = arith.constant 0 : i32
      %dma_start3A_1163 = tpu.memref_slice %arg6[%dma_start3A_1160, %dma_start3A_1161, %dma_start3A_1162] : memref<4x200x128xf32, #tpu.memory_space<vmem>> -> memref<1x50x128xf32, #tpu.memory_space<vmem>>
      %dma_start3A_1164 = tpu.memref_squeeze %dma_start3A_1163 : memref<1x50x128xf32, #tpu.memory_space<vmem>> -> memref<50x128xf32, #tpu.memory_space<vmem>>
      %dma_start3A_1165 = arith.constant 0 : i32
      %dma_start3A_1166 = tpu.memref_slice %arg5[%add3A_1159, %dma_start3A_1165] : memref<128x50xi32, #tpu.memory_space<vmem>> -> memref<1x50xi32, #tpu.memory_space<vmem>>
      %dma_start3A_1167 = tpu.memref_squeeze %dma_start3A_1166 : memref<1x50xi32, #tpu.memory_space<vmem>> -> memref<50xi32, #tpu.memory_space<vmem>>
      %dma_start3A_1168 = arith.constant 0 : i32
      %dma_start3A_1169 = arith.constant 0 : i32
      %dma_start3A_1170 = tpu.memref_slice %arg3[%dma_start3A_1168, %dma_start3A_1169] : memref<100000x128xf32, #tpu.memory_space<hbm>> -> memref<100000x128xf32, #tpu.memory_space<hbm>>
      tpu.enqueue_indirect_dma source(%dma_start3A_1170 : memref<100000x128xf32, #tpu.memory_space<hbm>>) target(%dma_start3A_1164 : memref<50x128xf32, #tpu.memory_space<vmem>>) offsets(%dma_start3A_1167 : memref<50xi32, #tpu.memory_space<vmem>>) semaphore(%arg9 : memref<!tpu.dma_semaphore, #tpu.memory_space<semaphore_mem>>)
    }
    %scan3A_502 = arith.constant 6 : i32
    %dma_wait3A_503 = arith.constant 0 : i32
    %dma_wait3A_504 = arith.constant 0 : i32
    %dma_wait3A_505 = arith.constant 0 : i32
    %dma_wait3A_506 = tpu.memref_slice %arg6[%dma_wait3A_503, %dma_wait3A_504, %dma_wait3A_505] : memref<4x200x128xf32, #tpu.memory_space<vmem>> -> memref<1x200x128xf32, #tpu.memory_space<vmem>>
    %dma_wait3A_507 = tpu.memref_squeeze %dma_wait3A_506 : memref<1x200x128xf32, #tpu.memory_space<vmem>> -> memref<200x128xf32, #tpu.memory_space<vmem>>
    %dma_wait3A_508 = arith.constant 0 : i32
    %dma_wait3A_509 = arith.constant 0 : i32
    %dma_wait3A_510 = tpu.memref_slice %arg3[%dma_wait3A_508, %dma_wait3A_509] : memref<100000x128xf32, #tpu.memory_space<hbm>> -> memref<200x128xf32, #tpu.memory_space<hbm>>
    %dma_wait3A_511 = arith.constant 0 : i32
    %dma_wait3A_512 = arith.constant 0 : i32
    %dma_wait3A_513 = tpu.memref_slice %arg6[%dma_wait3A_503, %dma_wait3A_511, %dma_wait3A_512] : memref<4x200x128xf32, #tpu.memory_space<vmem>> -> memref<1x200x128xf32, #tpu.memory_space<vmem>>
    %dma_wait3A_514 = tpu.memref_squeeze %dma_wait3A_513 : memref<1x200x128xf32, #tpu.memory_space<vmem>> -> memref<200x128xf32, #tpu.memory_space<vmem>>
    %dma_wait3A_515 = arith.constant 0 : i32
    %dma_wait3A_516 = arith.constant 0 : i32
    %dma_wait3A_517 = tpu.memref_slice %arg3[%dma_wait3A_515, %dma_wait3A_516] : memref<100000x128xf32, #tpu.memory_space<hbm>> -> memref<200x128xf32, #tpu.memory_space<hbm>>
    tpu.wait_dma2 semaphore(%arg7 : memref<!tpu.dma_semaphore, #tpu.memory_space<semaphore_mem>>) src(%dma_wait3A_517 : memref<200x128xf32, #tpu.memory_space<hbm>>) dst(%dma_wait3A_514 : memref<200x128xf32, #tpu.memory_space<vmem>>)
    %add3A_518 = arith.constant 5600 : i32
    %add3A_519 = arith.addi %mul3A_2, %add3A_518 : i32
    %dma_start3A_520 = arith.constant 0 : i32
    %dma_start3A_521 = arith.constant 0 : i32
    %dma_start3A_522 = arith.constant 0 : i32
    %dma_start3A_523 = tpu.memref_slice %arg6[%dma_start3A_520, %dma_start3A_521, %dma_start3A_522] : memref<4x200x128xf32, #tpu.memory_space<vmem>> -> memref<1x200x128xf32, #tpu.memory_space<vmem>>
    %dma_start3A_524 = tpu.memref_squeeze %dma_start3A_523 : memref<1x200x128xf32, #tpu.memory_space<vmem>> -> memref<200x128xf32, #tpu.memory_space<vmem>>
    %dma_start3A_525 = arith.constant 0 : i32
    %dma_start3A_526 = tpu.memref_slice %arg4[%add3A_519, %dma_start3A_525] : memref<204800x128xf32, #tpu.memory_space<hbm>> -> memref<200x128xf32, #tpu.memory_space<hbm>>
    %dma_start3A_527 = arith.constant 0 : i32
    %dma_start3A_528 = tpu.memref_slice %arg4[%add3A_519, %dma_start3A_527] : memref<204800x128xf32, #tpu.memory_space<hbm>> -> memref<200x128xf32, #tpu.memory_space<hbm>>
    %dma_start3A_529 = arith.constant 0 : i32
    %dma_start3A_530 = arith.constant 0 : i32
    %dma_start3A_531 = tpu.memref_slice %arg6[%dma_start3A_520, %dma_start3A_529, %dma_start3A_530] : memref<4x200x128xf32, #tpu.memory_space<vmem>> -> memref<1x200x128xf32, #tpu.memory_space<vmem>>
    %dma_start3A_532 = tpu.memref_squeeze %dma_start3A_531 : memref<1x200x128xf32, #tpu.memory_space<vmem>> -> memref<200x128xf32, #tpu.memory_space<vmem>>
    tpu.enqueue_dma source(%dma_start3A_532 : memref<200x128xf32, #tpu.memory_space<vmem>>) target(%dma_start3A_528 : memref<200x128xf32, #tpu.memory_space<hbm>>) target_semaphore(%arg11 : memref<!tpu.dma_semaphore, #tpu.memory_space<semaphore_mem>>)
    %dma_wait3A_533 = arith.constant 3 : i32
    %dma_wait3A_534 = arith.constant 0 : i32
    %dma_wait3A_535 = arith.constant 0 : i32
    %dma_wait3A_536 = tpu.memref_slice %arg6[%dma_wait3A_533, %dma_wait3A_534, %dma_wait3A_535] : memref<4x200x128xf32, #tpu.memory_space<vmem>> -> memref<1x200x128xf32, #tpu.memory_space<vmem>>
    %dma_wait3A_537 = tpu.memref_squeeze %dma_wait3A_536 : memref<1x200x128xf32, #tpu.memory_space<vmem>> -> memref<200x128xf32, #tpu.memory_space<vmem>>
    %dma_wait3A_538 = arith.constant 0 : i32
    %dma_wait3A_539 = tpu.memref_slice %arg4[%mul3A_2, %dma_wait3A_538] : memref<204800x128xf32, #tpu.memory_space<hbm>> -> memref<200x128xf32, #tpu.memory_space<hbm>>
    %dma_wait3A_540 = arith.constant 0 : i32
    %dma_wait3A_541 = tpu.memref_slice %arg4[%mul3A_2, %dma_wait3A_540] : memref<204800x128xf32, #tpu.memory_space<hbm>> -> memref<200x128xf32, #tpu.memory_space<hbm>>
    %dma_wait3A_542 = arith.constant 0 : i32
    %dma_wait3A_543 = arith.constant 0 : i32
    %dma_wait3A_544 = tpu.memref_slice %arg6[%dma_wait3A_533, %dma_wait3A_542, %dma_wait3A_543] : memref<4x200x128xf32, #tpu.memory_space<vmem>> -> memref<1x200x128xf32, #tpu.memory_space<vmem>>
    %dma_wait3A_545 = tpu.memref_squeeze %dma_wait3A_544 : memref<1x200x128xf32, #tpu.memory_space<vmem>> -> memref<200x128xf32, #tpu.memory_space<vmem>>
    tpu.wait_dma2 semaphore(%arg14 : memref<!tpu.dma_semaphore, #tpu.memory_space<semaphore_mem>>) src(%dma_wait3A_545 : memref<200x128xf32, #tpu.memory_space<vmem>>) dst(%dma_wait3A_541 : memref<200x128xf32, #tpu.memory_space<hbm>>)
    %dma_start3A_546 = arith.constant 124 : i32
    %dma_start3A_547 = arith.constant 3 : i32
    %dma_start3A_548 = arith.constant 0 : i32
    %dma_start3A_549 = arith.constant 0 : i32
    %dma_start3A_550 = tpu.memref_slice %arg6[%dma_start3A_547, %dma_start3A_548, %dma_start3A_549] : memref<4x200x128xf32, #tpu.memory_space<vmem>> -> memref<1x50x128xf32, #tpu.memory_space<vmem>>
    %dma_start3A_551 = tpu.memref_squeeze %dma_start3A_550 : memref<1x50x128xf32, #tpu.memory_space<vmem>> -> memref<50x128xf32, #tpu.memory_space<vmem>>
    %dma_start3A_552 = arith.constant 0 : i32
    %dma_start3A_553 = tpu.memref_slice %arg5[%dma_start3A_546, %dma_start3A_552] : memref<128x50xi32, #tpu.memory_space<vmem>> -> memref<1x50xi32, #tpu.memory_space<vmem>>
    %dma_start3A_554 = tpu.memref_squeeze %dma_start3A_553 : memref<1x50xi32, #tpu.memory_space<vmem>> -> memref<50xi32, #tpu.memory_space<vmem>>
    %dma_start3A_555 = arith.constant 0 : i32
    %dma_start3A_556 = arith.constant 0 : i32
    %dma_start3A_557 = tpu.memref_slice %arg3[%dma_start3A_555, %dma_start3A_556] : memref<100000x128xf32, #tpu.memory_space<hbm>> -> memref<100000x128xf32, #tpu.memory_space<hbm>>
    tpu.enqueue_indirect_dma source(%dma_start3A_557 : memref<100000x128xf32, #tpu.memory_space<hbm>>) target(%dma_start3A_551 : memref<50x128xf32, #tpu.memory_space<vmem>>) offsets(%dma_start3A_554 : memref<50xi32, #tpu.memory_space<vmem>>) semaphore(%arg10 : memref<!tpu.dma_semaphore, #tpu.memory_space<semaphore_mem>>)
    %dma_start3A_558 = arith.constant 125 : i32
    %dma_start3A_559 = arith.constant 3 : i32
    %dma_start3A_560 = arith.constant 50 : i32
    %dma_start3A_561 = arith.constant 0 : i32
    %dma_start3A_562 = tpu.memref_slice %arg6[%dma_start3A_559, %dma_start3A_560, %dma_start3A_561] : memref<4x200x128xf32, #tpu.memory_space<vmem>> -> memref<1x50x128xf32, #tpu.memory_space<vmem>>
    %dma_start3A_563 = tpu.memref_squeeze %dma_start3A_562 : memref<1x50x128xf32, #tpu.memory_space<vmem>> -> memref<50x128xf32, #tpu.memory_space<vmem>>
    %dma_start3A_564 = arith.constant 0 : i32
    %dma_start3A_565 = tpu.memref_slice %arg5[%dma_start3A_558, %dma_start3A_564] : memref<128x50xi32, #tpu.memory_space<vmem>> -> memref<1x50xi32, #tpu.memory_space<vmem>>
    %dma_start3A_566 = tpu.memref_squeeze %dma_start3A_565 : memref<1x50xi32, #tpu.memory_space<vmem>> -> memref<50xi32, #tpu.memory_space<vmem>>
    %dma_start3A_567 = arith.constant 0 : i32
    %dma_start3A_568 = arith.constant 0 : i32
    %dma_start3A_569 = tpu.memref_slice %arg3[%dma_start3A_567, %dma_start3A_568] : memref<100000x128xf32, #tpu.memory_space<hbm>> -> memref<100000x128xf32, #tpu.memory_space<hbm>>
    tpu.enqueue_indirect_dma source(%dma_start3A_569 : memref<100000x128xf32, #tpu.memory_space<hbm>>) target(%dma_start3A_563 : memref<50x128xf32, #tpu.memory_space<vmem>>) offsets(%dma_start3A_566 : memref<50xi32, #tpu.memory_space<vmem>>) semaphore(%arg10 : memref<!tpu.dma_semaphore, #tpu.memory_space<semaphore_mem>>)
    %dma_start3A_570 = arith.constant 126 : i32
    %dma_start3A_571 = arith.constant 3 : i32
    %dma_start3A_572 = arith.constant 100 : i32
    %dma_start3A_573 = arith.constant 0 : i32
    %dma_start3A_574 = tpu.memref_slice %arg6[%dma_start3A_571, %dma_start3A_572, %dma_start3A_573] : memref<4x200x128xf32, #tpu.memory_space<vmem>> -> memref<1x50x128xf32, #tpu.memory_space<vmem>>
    %dma_start3A_575 = tpu.memref_squeeze %dma_start3A_574 : memref<1x50x128xf32, #tpu.memory_space<vmem>> -> memref<50x128xf32, #tpu.memory_space<vmem>>
    %dma_start3A_576 = arith.constant 0 : i32
    %dma_start3A_577 = tpu.memref_slice %arg5[%dma_start3A_570, %dma_start3A_576] : memref<128x50xi32, #tpu.memory_space<vmem>> -> memref<1x50xi32, #tpu.memory_space<vmem>>
    %dma_start3A_578 = tpu.memref_squeeze %dma_start3A_577 : memref<1x50xi32, #tpu.memory_space<vmem>> -> memref<50xi32, #tpu.memory_space<vmem>>
    %dma_start3A_579 = arith.constant 0 : i32
    %dma_start3A_580 = arith.constant 0 : i32
    %dma_start3A_581 = tpu.memref_slice %arg3[%dma_start3A_579, %dma_start3A_580] : memref<100000x128xf32, #tpu.memory_space<hbm>> -> memref<100000x128xf32, #tpu.memory_space<hbm>>
    tpu.enqueue_indirect_dma source(%dma_start3A_581 : memref<100000x128xf32, #tpu.memory_space<hbm>>) target(%dma_start3A_575 : memref<50x128xf32, #tpu.memory_space<vmem>>) offsets(%dma_start3A_578 : memref<50xi32, #tpu.memory_space<vmem>>) semaphore(%arg10 : memref<!tpu.dma_semaphore, #tpu.memory_space<semaphore_mem>>)
    %dma_start3A_582 = arith.constant 127 : i32
    %dma_start3A_583 = arith.constant 3 : i32
    %dma_start3A_584 = arith.constant 150 : i32
    %dma_start3A_585 = arith.constant 0 : i32
    %dma_start3A_586 = tpu.memref_slice %arg6[%dma_start3A_583, %dma_start3A_584, %dma_start3A_585] : memref<4x200x128xf32, #tpu.memory_space<vmem>> -> memref<1x50x128xf32, #tpu.memory_space<vmem>>
    %dma_start3A_587 = tpu.memref_squeeze %dma_start3A_586 : memref<1x50x128xf32, #tpu.memory_space<vmem>> -> memref<50x128xf32, #tpu.memory_space<vmem>>
    %dma_start3A_588 = arith.constant 0 : i32
    %dma_start3A_589 = tpu.memref_slice %arg5[%dma_start3A_582, %dma_start3A_588] : memref<128x50xi32, #tpu.memory_space<vmem>> -> memref<1x50xi32, #tpu.memory_space<vmem>>
    %dma_start3A_590 = tpu.memref_squeeze %dma_start3A_589 : memref<1x50xi32, #tpu.memory_space<vmem>> -> memref<50xi32, #tpu.memory_space<vmem>>
    %dma_start3A_591 = arith.constant 0 : i32
    %dma_start3A_592 = arith.constant 0 : i32
    %dma_start3A_593 = tpu.memref_slice %arg3[%dma_start3A_591, %dma_start3A_592] : memref<100000x128xf32, #tpu.memory_space<hbm>> -> memref<100000x128xf32, #tpu.memory_space<hbm>>
    tpu.enqueue_indirect_dma source(%dma_start3A_593 : memref<100000x128xf32, #tpu.memory_space<hbm>>) target(%dma_start3A_587 : memref<50x128xf32, #tpu.memory_space<vmem>>) offsets(%dma_start3A_590 : memref<50xi32, #tpu.memory_space<vmem>>) semaphore(%arg10 : memref<!tpu.dma_semaphore, #tpu.memory_space<semaphore_mem>>)
    %dma_wait3A_594 = arith.constant 1 : i32
    %dma_wait3A_595 = arith.constant 0 : i32
    %dma_wait3A_596 = arith.constant 0 : i32
    %dma_wait3A_597 = tpu.memref_slice %arg6[%dma_wait3A_594, %dma_wait3A_595, %dma_wait3A_596] : memref<4x200x128xf32, #tpu.memory_space<vmem>> -> memref<1x200x128xf32, #tpu.memory_space<vmem>>
    %dma_wait3A_598 = tpu.memref_squeeze %dma_wait3A_597 : memref<1x200x128xf32, #tpu.memory_space<vmem>> -> memref<200x128xf32, #tpu.memory_space<vmem>>
    %dma_wait3A_599 = arith.constant 0 : i32
    %dma_wait3A_600 = arith.constant 0 : i32
    %dma_wait3A_601 = tpu.memref_slice %arg3[%dma_wait3A_599, %dma_wait3A_600] : memref<100000x128xf32, #tpu.memory_space<hbm>> -> memref<200x128xf32, #tpu.memory_space<hbm>>
    %dma_wait3A_602 = arith.constant 0 : i32
    %dma_wait3A_603 = arith.constant 0 : i32
    %dma_wait3A_604 = tpu.memref_slice %arg6[%dma_wait3A_594, %dma_wait3A_602, %dma_wait3A_603] : memref<4x200x128xf32, #tpu.memory_space<vmem>> -> memref<1x200x128xf32, #tpu.memory_space<vmem>>
    %dma_wait3A_605 = tpu.memref_squeeze %dma_wait3A_604 : memref<1x200x128xf32, #tpu.memory_space<vmem>> -> memref<200x128xf32, #tpu.memory_space<vmem>>
    %dma_wait3A_606 = arith.constant 0 : i32
    %dma_wait3A_607 = arith.constant 0 : i32
    %dma_wait3A_608 = tpu.memref_slice %arg3[%dma_wait3A_606, %dma_wait3A_607] : memref<100000x128xf32, #tpu.memory_space<hbm>> -> memref<200x128xf32, #tpu.memory_space<hbm>>
    tpu.wait_dma2 semaphore(%arg8 : memref<!tpu.dma_semaphore, #tpu.memory_space<semaphore_mem>>) src(%dma_wait3A_608 : memref<200x128xf32, #tpu.memory_space<hbm>>) dst(%dma_wait3A_605 : memref<200x128xf32, #tpu.memory_space<vmem>>)
    %add3A_609 = arith.constant 5800 : i32
    %add3A_610 = arith.addi %mul3A_2, %add3A_609 : i32
    %dma_start3A_611 = arith.constant 1 : i32
    %dma_start3A_612 = arith.constant 0 : i32
    %dma_start3A_613 = arith.constant 0 : i32
    %dma_start3A_614 = tpu.memref_slice %arg6[%dma_start3A_611, %dma_start3A_612, %dma_start3A_613] : memref<4x200x128xf32, #tpu.memory_space<vmem>> -> memref<1x200x128xf32, #tpu.memory_space<vmem>>
    %dma_start3A_615 = tpu.memref_squeeze %dma_start3A_614 : memref<1x200x128xf32, #tpu.memory_space<vmem>> -> memref<200x128xf32, #tpu.memory_space<vmem>>
    %dma_start3A_616 = arith.constant 0 : i32
    %dma_start3A_617 = tpu.memref_slice %arg4[%add3A_610, %dma_start3A_616] : memref<204800x128xf32, #tpu.memory_space<hbm>> -> memref<200x128xf32, #tpu.memory_space<hbm>>
    %dma_start3A_618 = arith.constant 0 : i32
    %dma_start3A_619 = tpu.memref_slice %arg4[%add3A_610, %dma_start3A_618] : memref<204800x128xf32, #tpu.memory_space<hbm>> -> memref<200x128xf32, #tpu.memory_space<hbm>>
    %dma_start3A_620 = arith.constant 0 : i32
    %dma_start3A_621 = arith.constant 0 : i32
    %dma_start3A_622 = tpu.memref_slice %arg6[%dma_start3A_611, %dma_start3A_620, %dma_start3A_621] : memref<4x200x128xf32, #tpu.memory_space<vmem>> -> memref<1x200x128xf32, #tpu.memory_space<vmem>>
    %dma_start3A_623 = tpu.memref_squeeze %dma_start3A_622 : memref<1x200x128xf32, #tpu.memory_space<vmem>> -> memref<200x128xf32, #tpu.memory_space<vmem>>
    tpu.enqueue_dma source(%dma_start3A_623 : memref<200x128xf32, #tpu.memory_space<vmem>>) target(%dma_start3A_619 : memref<200x128xf32, #tpu.memory_space<hbm>>) target_semaphore(%arg12 : memref<!tpu.dma_semaphore, #tpu.memory_space<semaphore_mem>>)
    %dma_wait3A_624 = arith.constant 2 : i32
    %dma_wait3A_625 = arith.constant 0 : i32
    %dma_wait3A_626 = arith.constant 0 : i32
    %dma_wait3A_627 = tpu.memref_slice %arg6[%dma_wait3A_624, %dma_wait3A_625, %dma_wait3A_626] : memref<4x200x128xf32, #tpu.memory_space<vmem>> -> memref<1x200x128xf32, #tpu.memory_space<vmem>>
    %dma_wait3A_628 = tpu.memref_squeeze %dma_wait3A_627 : memref<1x200x128xf32, #tpu.memory_space<vmem>> -> memref<200x128xf32, #tpu.memory_space<vmem>>
    %dma_wait3A_629 = arith.constant 0 : i32
    %dma_wait3A_630 = arith.constant 0 : i32
    %dma_wait3A_631 = tpu.memref_slice %arg3[%dma_wait3A_629, %dma_wait3A_630] : memref<100000x128xf32, #tpu.memory_space<hbm>> -> memref<200x128xf32, #tpu.memory_space<hbm>>
    %dma_wait3A_632 = arith.constant 0 : i32
    %dma_wait3A_633 = arith.constant 0 : i32
    %dma_wait3A_634 = tpu.memref_slice %arg6[%dma_wait3A_624, %dma_wait3A_632, %dma_wait3A_633] : memref<4x200x128xf32, #tpu.memory_space<vmem>> -> memref<1x200x128xf32, #tpu.memory_space<vmem>>
    %dma_wait3A_635 = tpu.memref_squeeze %dma_wait3A_634 : memref<1x200x128xf32, #tpu.memory_space<vmem>> -> memref<200x128xf32, #tpu.memory_space<vmem>>
    %dma_wait3A_636 = arith.constant 0 : i32
    %dma_wait3A_637 = arith.constant 0 : i32
    %dma_wait3A_638 = tpu.memref_slice %arg3[%dma_wait3A_636, %dma_wait3A_637] : memref<100000x128xf32, #tpu.memory_space<hbm>> -> memref<200x128xf32, #tpu.memory_space<hbm>>
    tpu.wait_dma2 semaphore(%arg9 : memref<!tpu.dma_semaphore, #tpu.memory_space<semaphore_mem>>) src(%dma_wait3A_638 : memref<200x128xf32, #tpu.memory_space<hbm>>) dst(%dma_wait3A_635 : memref<200x128xf32, #tpu.memory_space<vmem>>)
    %add3A_639 = arith.constant 6000 : i32
    %add3A_640 = arith.addi %mul3A_2, %add3A_639 : i32
    %dma_start3A_641 = arith.constant 2 : i32
    %dma_start3A_642 = arith.constant 0 : i32
    %dma_start3A_643 = arith.constant 0 : i32
    %dma_start3A_644 = tpu.memref_slice %arg6[%dma_start3A_641, %dma_start3A_642, %dma_start3A_643] : memref<4x200x128xf32, #tpu.memory_space<vmem>> -> memref<1x200x128xf32, #tpu.memory_space<vmem>>
    %dma_start3A_645 = tpu.memref_squeeze %dma_start3A_644 : memref<1x200x128xf32, #tpu.memory_space<vmem>> -> memref<200x128xf32, #tpu.memory_space<vmem>>
    %dma_start3A_646 = arith.constant 0 : i32
    %dma_start3A_647 = tpu.memref_slice %arg4[%add3A_640, %dma_start3A_646] : memref<204800x128xf32, #tpu.memory_space<hbm>> -> memref<200x128xf32, #tpu.memory_space<hbm>>
    %dma_start3A_648 = arith.constant 0 : i32
    %dma_start3A_649 = tpu.memref_slice %arg4[%add3A_640, %dma_start3A_648] : memref<204800x128xf32, #tpu.memory_space<hbm>> -> memref<200x128xf32, #tpu.memory_space<hbm>>
    %dma_start3A_650 = arith.constant 0 : i32
    %dma_start3A_651 = arith.constant 0 : i32
    %dma_start3A_652 = tpu.memref_slice %arg6[%dma_start3A_641, %dma_start3A_650, %dma_start3A_651] : memref<4x200x128xf32, #tpu.memory_space<vmem>> -> memref<1x200x128xf32, #tpu.memory_space<vmem>>
    %dma_start3A_653 = tpu.memref_squeeze %dma_start3A_652 : memref<1x200x128xf32, #tpu.memory_space<vmem>> -> memref<200x128xf32, #tpu.memory_space<vmem>>
    tpu.enqueue_dma source(%dma_start3A_653 : memref<200x128xf32, #tpu.memory_space<vmem>>) target(%dma_start3A_649 : memref<200x128xf32, #tpu.memory_space<hbm>>) target_semaphore(%arg13 : memref<!tpu.dma_semaphore, #tpu.memory_space<semaphore_mem>>)
    %dma_wait3A_654 = arith.constant 3 : i32
    %dma_wait3A_655 = arith.constant 0 : i32
    %dma_wait3A_656 = arith.constant 0 : i32
    %dma_wait3A_657 = tpu.memref_slice %arg6[%dma_wait3A_654, %dma_wait3A_655, %dma_wait3A_656] : memref<4x200x128xf32, #tpu.memory_space<vmem>> -> memref<1x200x128xf32, #tpu.memory_space<vmem>>
    %dma_wait3A_658 = tpu.memref_squeeze %dma_wait3A_657 : memref<1x200x128xf32, #tpu.memory_space<vmem>> -> memref<200x128xf32, #tpu.memory_space<vmem>>
    %dma_wait3A_659 = arith.constant 0 : i32
    %dma_wait3A_660 = arith.constant 0 : i32
    %dma_wait3A_661 = tpu.memref_slice %arg3[%dma_wait3A_659, %dma_wait3A_660] : memref<100000x128xf32, #tpu.memory_space<hbm>> -> memref<200x128xf32, #tpu.memory_space<hbm>>
    %dma_wait3A_662 = arith.constant 0 : i32
    %dma_wait3A_663 = arith.constant 0 : i32
    %dma_wait3A_664 = tpu.memref_slice %arg6[%dma_wait3A_654, %dma_wait3A_662, %dma_wait3A_663] : memref<4x200x128xf32, #tpu.memory_space<vmem>> -> memref<1x200x128xf32, #tpu.memory_space<vmem>>
    %dma_wait3A_665 = tpu.memref_squeeze %dma_wait3A_664 : memref<1x200x128xf32, #tpu.memory_space<vmem>> -> memref<200x128xf32, #tpu.memory_space<vmem>>
    %dma_wait3A_666 = arith.constant 0 : i32
    %dma_wait3A_667 = arith.constant 0 : i32
    %dma_wait3A_668 = tpu.memref_slice %arg3[%dma_wait3A_666, %dma_wait3A_667] : memref<100000x128xf32, #tpu.memory_space<hbm>> -> memref<200x128xf32, #tpu.memory_space<hbm>>
    tpu.wait_dma2 semaphore(%arg10 : memref<!tpu.dma_semaphore, #tpu.memory_space<semaphore_mem>>) src(%dma_wait3A_668 : memref<200x128xf32, #tpu.memory_space<hbm>>) dst(%dma_wait3A_665 : memref<200x128xf32, #tpu.memory_space<vmem>>)
    %add3A_669 = arith.constant 6200 : i32
    %add3A_670 = arith.addi %mul3A_2, %add3A_669 : i32
    %dma_start3A_671 = arith.constant 3 : i32
    %dma_start3A_672 = arith.constant 0 : i32
    %dma_start3A_673 = arith.constant 0 : i32
    %dma_start3A_674 = tpu.memref_slice %arg6[%dma_start3A_671, %dma_start3A_672, %dma_start3A_673] : memref<4x200x128xf32, #tpu.memory_space<vmem>> -> memref<1x200x128xf32, #tpu.memory_space<vmem>>
    %dma_start3A_675 = tpu.memref_squeeze %dma_start3A_674 : memref<1x200x128xf32, #tpu.memory_space<vmem>> -> memref<200x128xf32, #tpu.memory_space<vmem>>
    %dma_start3A_676 = arith.constant 0 : i32
    %dma_start3A_677 = tpu.memref_slice %arg4[%add3A_670, %dma_start3A_676] : memref<204800x128xf32, #tpu.memory_space<hbm>> -> memref<200x128xf32, #tpu.memory_space<hbm>>
    %dma_start3A_678 = arith.constant 0 : i32
    %dma_start3A_679 = tpu.memref_slice %arg4[%add3A_670, %dma_start3A_678] : memref<204800x128xf32, #tpu.memory_space<hbm>> -> memref<200x128xf32, #tpu.memory_space<hbm>>
    %dma_start3A_680 = arith.constant 0 : i32
    %dma_start3A_681 = arith.constant 0 : i32
    %dma_start3A_682 = tpu.memref_slice %arg6[%dma_start3A_671, %dma_start3A_680, %dma_start3A_681] : memref<4x200x128xf32, #tpu.memory_space<vmem>> -> memref<1x200x128xf32, #tpu.memory_space<vmem>>
    %dma_start3A_683 = tpu.memref_squeeze %dma_start3A_682 : memref<1x200x128xf32, #tpu.memory_space<vmem>> -> memref<200x128xf32, #tpu.memory_space<vmem>>
    tpu.enqueue_dma source(%dma_start3A_683 : memref<200x128xf32, #tpu.memory_space<vmem>>) target(%dma_start3A_679 : memref<200x128xf32, #tpu.memory_space<hbm>>) target_semaphore(%arg14 : memref<!tpu.dma_semaphore, #tpu.memory_space<semaphore_mem>>)
    %dma_wait3A_684 = arith.constant 0 : i32
    %dma_wait3A_685 = arith.constant 0 : i32
    %dma_wait3A_686 = arith.constant 0 : i32
    %dma_wait3A_687 = tpu.memref_slice %arg6[%dma_wait3A_684, %dma_wait3A_685, %dma_wait3A_686] : memref<4x200x128xf32, #tpu.memory_space<vmem>> -> memref<1x200x128xf32, #tpu.memory_space<vmem>>
    %dma_wait3A_688 = tpu.memref_squeeze %dma_wait3A_687 : memref<1x200x128xf32, #tpu.memory_space<vmem>> -> memref<200x128xf32, #tpu.memory_space<vmem>>
    %dma_wait3A_689 = arith.constant 0 : i32
    %dma_wait3A_690 = tpu.memref_slice %arg4[%mul3A_2, %dma_wait3A_689] : memref<204800x128xf32, #tpu.memory_space<hbm>> -> memref<200x128xf32, #tpu.memory_space<hbm>>
    %dma_wait3A_691 = arith.constant 0 : i32
    %dma_wait3A_692 = tpu.memref_slice %arg4[%mul3A_2, %dma_wait3A_691] : memref<204800x128xf32, #tpu.memory_space<hbm>> -> memref<200x128xf32, #tpu.memory_space<hbm>>
    %dma_wait3A_693 = arith.constant 0 : i32
    %dma_wait3A_694 = arith.constant 0 : i32
    %dma_wait3A_695 = tpu.memref_slice %arg6[%dma_wait3A_684, %dma_wait3A_693, %dma_wait3A_694] : memref<4x200x128xf32, #tpu.memory_space<vmem>> -> memref<1x200x128xf32, #tpu.memory_space<vmem>>
    %dma_wait3A_696 = tpu.memref_squeeze %dma_wait3A_695 : memref<1x200x128xf32, #tpu.memory_space<vmem>> -> memref<200x128xf32, #tpu.memory_space<vmem>>
    tpu.wait_dma2 semaphore(%arg11 : memref<!tpu.dma_semaphore, #tpu.memory_space<semaphore_mem>>) src(%dma_wait3A_696 : memref<200x128xf32, #tpu.memory_space<vmem>>) dst(%dma_wait3A_692 : memref<200x128xf32, #tpu.memory_space<hbm>>)
    %dma_wait3A_697 = arith.constant 1 : i32
    %dma_wait3A_698 = arith.constant 0 : i32
    %dma_wait3A_699 = arith.constant 0 : i32
    %dma_wait3A_700 = tpu.memref_slice %arg6[%dma_wait3A_697, %dma_wait3A_698, %dma_wait3A_699] : memref<4x200x128xf32, #tpu.memory_space<vmem>> -> memref<1x200x128xf32, #tpu.memory_space<vmem>>
    %dma_wait3A_701 = tpu.memref_squeeze %dma_wait3A_700 : memref<1x200x128xf32, #tpu.memory_space<vmem>> -> memref<200x128xf32, #tpu.memory_space<vmem>>
    %dma_wait3A_702 = arith.constant 0 : i32
    %dma_wait3A_703 = tpu.memref_slice %arg4[%mul3A_2, %dma_wait3A_702] : memref<204800x128xf32, #tpu.memory_space<hbm>> -> memref<200x128xf32, #tpu.memory_space<hbm>>
    %dma_wait3A_704 = arith.constant 0 : i32
    %dma_wait3A_705 = tpu.memref_slice %arg4[%mul3A_2, %dma_wait3A_704] : memref<204800x128xf32, #tpu.memory_space<hbm>> -> memref<200x128xf32, #tpu.memory_space<hbm>>
    %dma_wait3A_706 = arith.constant 0 : i32
    %dma_wait3A_707 = arith.constant 0 : i32
    %dma_wait3A_708 = tpu.memref_slice %arg6[%dma_wait3A_697, %dma_wait3A_706, %dma_wait3A_707] : memref<4x200x128xf32, #tpu.memory_space<vmem>> -> memref<1x200x128xf32, #tpu.memory_space<vmem>>
    %dma_wait3A_709 = tpu.memref_squeeze %dma_wait3A_708 : memref<1x200x128xf32, #tpu.memory_space<vmem>> -> memref<200x128xf32, #tpu.memory_space<vmem>>
    tpu.wait_dma2 semaphore(%arg12 : memref<!tpu.dma_semaphore, #tpu.memory_space<semaphore_mem>>) src(%dma_wait3A_709 : memref<200x128xf32, #tpu.memory_space<vmem>>) dst(%dma_wait3A_705 : memref<200x128xf32, #tpu.memory_space<hbm>>)
    %dma_wait3A_710 = arith.constant 2 : i32
    %dma_wait3A_711 = arith.constant 0 : i32
    %dma_wait3A_712 = arith.constant 0 : i32
    %dma_wait3A_713 = tpu.memref_slice %arg6[%dma_wait3A_710, %dma_wait3A_711, %dma_wait3A_712] : memref<4x200x128xf32, #tpu.memory_space<vmem>> -> memref<1x200x128xf32, #tpu.memory_space<vmem>>
    %dma_wait3A_714 = tpu.memref_squeeze %dma_wait3A_713 : memref<1x200x128xf32, #tpu.memory_space<vmem>> -> memref<200x128xf32, #tpu.memory_space<vmem>>
    %dma_wait3A_715 = arith.constant 0 : i32
    %dma_wait3A_716 = tpu.memref_slice %arg4[%mul3A_2, %dma_wait3A_715] : memref<204800x128xf32, #tpu.memory_space<hbm>> -> memref<200x128xf32, #tpu.memory_space<hbm>>
    %dma_wait3A_717 = arith.constant 0 : i32
    %dma_wait3A_718 = tpu.memref_slice %arg4[%mul3A_2, %dma_wait3A_717] : memref<204800x128xf32, #tpu.memory_space<hbm>> -> memref<200x128xf32, #tpu.memory_space<hbm>>
    %dma_wait3A_719 = arith.constant 0 : i32
    %dma_wait3A_720 = arith.constant 0 : i32
    %dma_wait3A_721 = tpu.memref_slice %arg6[%dma_wait3A_710, %dma_wait3A_719, %dma_wait3A_720] : memref<4x200x128xf32, #tpu.memory_space<vmem>> -> memref<1x200x128xf32, #tpu.memory_space<vmem>>
    %dma_wait3A_722 = tpu.memref_squeeze %dma_wait3A_721 : memref<1x200x128xf32, #tpu.memory_space<vmem>> -> memref<200x128xf32, #tpu.memory_space<vmem>>
    tpu.wait_dma2 semaphore(%arg13 : memref<!tpu.dma_semaphore, #tpu.memory_space<semaphore_mem>>) src(%dma_wait3A_722 : memref<200x128xf32, #tpu.memory_space<vmem>>) dst(%dma_wait3A_718 : memref<200x128xf32, #tpu.memory_space<hbm>>)
    %dma_wait3A_723 = arith.constant 3 : i32
    %dma_wait3A_724 = arith.constant 0 : i32
    %dma_wait3A_725 = arith.constant 0 : i32
    %dma_wait3A_726 = tpu.memref_slice %arg6[%dma_wait3A_723, %dma_wait3A_724, %dma_wait3A_725] : memref<4x200x128xf32, #tpu.memory_space<vmem>> -> memref<1x200x128xf32, #tpu.memory_space<vmem>>
    %dma_wait3A_727 = tpu.memref_squeeze %dma_wait3A_726 : memref<1x200x128xf32, #tpu.memory_space<vmem>> -> memref<200x128xf32, #tpu.memory_space<vmem>>
    %dma_wait3A_728 = arith.constant 0 : i32
    %dma_wait3A_729 = tpu.memref_slice %arg4[%mul3A_2, %dma_wait3A_728] : memref<204800x128xf32, #tpu.memory_space<hbm>> -> memref<200x128xf32, #tpu.memory_space<hbm>>
    %dma_wait3A_730 = arith.constant 0 : i32
    %dma_wait3A_731 = tpu.memref_slice %arg4[%mul3A_2, %dma_wait3A_730] : memref<204800x128xf32, #tpu.memory_space<hbm>> -> memref<200x128xf32, #tpu.memory_space<hbm>>
    %dma_wait3A_732 = arith.constant 0 : i32
    %dma_wait3A_733 = arith.constant 0 : i32
    %dma_wait3A_734 = tpu.memref_slice %arg6[%dma_wait3A_723, %dma_wait3A_732, %dma_wait3A_733] : memref<4x200x128xf32, #tpu.memory_space<vmem>> -> memref<1x200x128xf32, #tpu.memory_space<vmem>>
    %dma_wait3A_735 = tpu.memref_squeeze %dma_wait3A_734 : memref<1x200x128xf32, #tpu.memory_space<vmem>> -> memref<200x128xf32, #tpu.memory_space<vmem>>
    tpu.wait_dma2 semaphore(%arg14 : memref<!tpu.dma_semaphore, #tpu.memory_space<semaphore_mem>>) src(%dma_wait3A_735 : memref<200x128xf32, #tpu.memory_space<vmem>>) dst(%dma_wait3A_731 : memref<200x128xf32, #tpu.memory_space<hbm>>)
    return
  }
}

</mosaic_0001>

<sc_bundles>
// kernel: kernel.3.cloned.1.call-start
scs
__scs_entry_jumppad:
0x0: {  	(pc) =	sbr.rel $0x88, $3  }
0x1: {  	(tag) =	ssettag $0x0;
	lr =	simm.s32 $0x1  }
0x2: {  	[smem:$0x3F9F] =	sst lr;
	_ =	strace $0xD0000000  }
0x3: {  	_ = 	snop  }
0x4: {  	_ = 	snop  }
0x5: {  	_ = 	snop  }
0x6: {  	_ = 	snop  }
0x7: {  	_ = 	snop  }
__scs_overlays_trampoline_lowered:
0x8: {  	[smem:$0x3FAE] =	sst s0  }
0x9: {  	[smem:$0x3FAF] =	sst s1  }
0xa: {  	[smem:$0x3FB0] =	sst s2  }
0xb: {  	[smem:$0x3FB1] =	sst s3  }
0xc: {  	[smem:$0x3FB2] =	sst s4  }
0xd: {  	[smem:$0x3FB3] =	sst s5  }
0xe: {  	[smem:$0x3FB4] =	sst s6  }
0xf: {  	[smem:$0x3FB5] =	sst s7  }
0x10: {  	[smem:$0x3FB6] =	sst s8  }
0x11: {  	[smem:$0x3FB7] =	sst s9;
	s0 =	simm.s32 @!p0 $0x0  }
0x12: {  	s1 =	sld [smem:$0x3F9D];
	s0 =	simm.s32 @p0 $0x1  }
0x13: {  	[smem:$0x3FB8] =	sst s0;
	s0 =	simm.s32 @!p1 $0x0  }
0x14: {  	s2 =	sld [smem:$0x3F9C];
	s0 =	simm.s32 @p1 $0x1  }
0x15: {  	[smem:$0x3FB9] =	sst s0;
	s0 =	simm.s32 @!p2 $0x0  }
0x16: {  	s3 =	sld [smem:$0x3FDB];
	s0 =	simm.s32 @p2 $0x1  }
0x17: {  	s4 =	simm.s32 $0x1BF5;
	[smem:$0x3FBB] =	sst s0  }
0x18: {  	s0 =	sld [smem:$0x3F9E];
	_ =	swait.ge [sflag:s4], $0x0  }
0x19: {  	s7 =	sld [smem:$0x3F9F]  }
0x1a: {  	s8 =	sadd.s32 $0xFFFFE003, lr  }
0x1b: {  	s9 =	sadd.s32 $0xFFFFFEF7, lr;
	s5 =	simm.s32 $0xFFFFFFFF;
	p2 =	slt.u32 s8, $0xFFFFF086  }
0x1c: {  	p1 =	slt.u32 s9, $0xF7A;
	s5 =	simm.s32 @!p2 $0x0  }
0x1d: {  	s5 =	simm.s32 @p1 $0x1;
	p0 =	seq.s32 s7, s2  }
0x1e: {  	s7 =	smul.u32 @!p0 $0xF7A, s2;
	p2 =	seq.s32 @!p0 s5, $0x0  }
0x1f: {  	s9 =	smul.u32 $0xF7A, s1;
	s8 =	simm.s32 @!p0 $0x1BF5;
	p2 =	por !p2, p0  }
0x20: {  	[sflag:s8] =	ssyncset.s32 @!p0 $0xFFFFF086;
	s6 =	sadd.s32 @!p0 s3, s7;
	s7 =	simm.s32 @!p0 $0x108  }
0x21: {  	s3 =	sadd.s32 s3, s9;
	s6 =	sadd.s32 @!p0 $0x88, s6;
	s7 =	simm.s32 @p2 $0x1082  }
0x22: {  	[simem:s7], [sflag:s8] =	dma.local @!p0 [hbm:s6], $0xF7A  }
0x23: {  	s9 =	sor.u32 $0xD0000000, s2;
	s6 =	simm.s32 $0x108;
	_ =	swait.ge @!p0 [sflag:s8], $0x0  }
0x24: {  	s3 =	sadd.s32 $0x88, s3;
	s6 =	simm.s32 @!p1 $0x1082;
	[sflag:s4] =	ssyncset.s32 $0xFFFFF086  }
0x25: {  	[simem:s6], [sflag:s4] =	dma.local [hbm:s3], $0xF7A  }
0x26: {  	[smem:$0x3F9F] =	sst s1;
	(tag) =	ssettag s2;
	_ =	strace s9  }
0x27: {  	s1 =	sld [smem:$0x3FAF]  }
0x28: {  	s2 =	sld [smem:$0x3FB0]  }
0x29: {  	s4 =	sld [smem:$0x3FB2]  }
0x2a: {  	p0 =	seq.s32 s5, $0x0;
	s5 =	sld [smem:$0x3FB3]  }
0x2b: {  	s6 =	sld [smem:$0x3FB4]  }
0x2c: {  	s7 =	sld [smem:$0x3FB5]  }
0x2d: {  	s3 =	simm.s32 $0x108;
	s8 =	sld [smem:$0x3FB6]  }
0x2e: {  	s3 =	simm.s32 @!p0 $0x1082;
	s9 =	sld [smem:$0x3FB7]  }
0x2f: {  	lr =	sadd.s32 s0, s3;
	s0 =	sld [smem:$0x3FAE]  }
0x30: {  	s3 =	sld [smem:$0x3FB1]  }
0x31: {  	[smem:$0x3FBA] =	sst s10  }
0x32: {  	s10 =	sld [smem:$0x3FB8];
	_ =	sdelay $0x3  }
0x33: {  	p0 =	seq.s32 s10, $0x1;
	s10 =	sld [smem:$0x3FBA];
	_ =	sdelay $0x3  }
0x34: {  	[smem:$0x3FBA] =	sst s10  }
0x35: {  	s10 =	sld [smem:$0x3FB9];
	_ =	sdelay $0x3  }
0x36: {  	p1 =	seq.s32 s10, $0x1;
	s10 =	sld [smem:$0x3FBA];
	_ =	sdelay $0x3  }
0x37: {  	[smem:$0x3FBA] =	sst s10  }
0x38: {  	s10 =	sld [smem:$0x3FBB]  }
0x39: {  	_ = 	snop;
	(pc) =	sbr.ind lr, $3  }
0x3a: {  	_ = 	snop  }
0x3b: {  	_ = 	snop  }
0x3c: {  	p2 =	seq.s32 s10, $0x1;
	s10 =	sld [smem:$0x3FBA]  }
0x3d: {  	_ =	shalt  }
0x3e: {  	_ =	shalt  }
0x3f: {  	_ =	shalt  }
0x40: {  	_ =	shalt  }
0x41: {  	_ =	shalt  }
0x42: {  	_ =	shalt  }
0x43: {  	_ =	shalt  }
0x44: {  	_ =	shalt  }
0x45: {  	_ =	shalt  }
0x46: {  	_ =	shalt  }
0x47: {  	_ =	shalt  }
0x48: {  	_ =	shalt  }
0x49: {  	_ =	shalt  }
0x4a: {  	_ =	shalt  }
0x4b: {  	_ =	shalt  }
0x4c: {  	_ =	shalt  }
0x4d: {  	_ =	shalt  }
0x4e: {  	_ =	shalt  }
0x4f: {  	_ =	shalt  }
0x50: {  	_ =	shalt  }
0x51: {  	_ =	shalt  }
0x52: {  	_ =	shalt  }
0x53: {  	_ =	shalt  }
0x54: {  	_ =	shalt  }
0x55: {  	_ =	shalt  }
0x56: {  	_ =	shalt  }
0x57: {  	_ =	shalt  }
0x58: {  	_ =	shalt  }
0x59: {  	_ =	shalt  }
0x5a: {  	_ =	shalt  }
0x5b: {  	_ =	shalt  }
0x5c: {  	_ =	shalt  }
0x5d: {  	_ =	shalt  }
0x5e: {  	_ =	shalt  }
0x5f: {  	_ =	shalt  }
0x60: {  	_ =	shalt  }
0x61: {  	_ =	shalt  }
0x62: {  	_ =	shalt  }
0x63: {  	_ =	shalt  }
0x64: {  	_ =	shalt  }
0x65: {  	_ =	shalt  }
0x66: {  	_ =	shalt  }
0x67: {  	_ =	shalt  }
0x68: {  	_ =	shalt  }
0x69: {  	_ =	shalt  }
0x6a: {  	_ =	shalt  }
0x6b: {  	_ =	shalt  }
0x6c: {  	_ =	shalt  }
0x6d: {  	_ =	shalt  }
0x6e: {  	_ =	shalt  }
0x6f: {  	_ =	shalt  }
0x70: {  	_ =	shalt  }
0x71: {  	_ =	shalt  }
0x72: {  	_ =	shalt  }
0x73: {  	_ =	shalt  }
0x74: {  	_ =	shalt  }
0x75: {  	_ =	shalt  }
0x76: {  	_ =	shalt  }
0x77: {  	_ =	shalt  }
0x78: {  	_ =	shalt  }
0x79: {  	_ =	shalt  }
0x7a: {  	_ =	shalt  }
0x7b: {  	_ =	shalt  }
0x7c: {  	_ =	shalt  }
0x7d: {  	_ =	shalt  }
0x7e: {  	_ =	shalt  }
0x7f: {  	_ =	shalt  }
0x80: {  	_ =	shalt  }
0x81: {  	_ =	shalt  }
0x82: {  	_ =	shalt  }
0x83: {  	_ =	shalt  }
0x84: {  	_ =	shalt  }
0x85: {  	_ =	shalt  }
0x86: {  	_ =	shalt  }
0x87: {  	_ =	shalt  }
.Lfunc_end0:
.L_simem_size_0:
called_computation_lowered:
.L_overlay_start_0:
0x88: {  	s2 =	sld [smem:$0x3FD9]  }
0x89: {  	s3 =	sld [smem:$0x3FFE];
	_ =	sdelay $0x1  }
0x8a: {  	s1 =	srdreg.scid  }
0x8b: {  	s0 =	sand.u32 $0x1, s1  }
0x8c: {  	s17 =	sshll.u32 s0, $0xA;
	s2 =	sadd.s32 s3, s2  }
0x8d: {  	s2 =	sadd.s32 s2, s17  }
0x8e: {  	[smem:$0x3FC6] =	sst s2  }
0x8f: {  	_ = 	snop  }
0x90: {  	s2 =	sld [smem:$0x3FC8]  }
0x91: {  	s18 =	sld [smem:$0x3FD0];
	(tm) =	ssettm $0x1  }
0x92: {  	s4 =	sld [smem:$0x3FFB];
	_ =	sdelay $0x3  }
0x93: {  	_ =	strace s4  }
0x94: {  	s4 =	sld [smem:$0x3FFC];
	_ =	sdelay $0x3  }
0x95: {  	_ =	strace s4  }
0x96: {  	s4 =	sld [smem:$0x3FFD];
	_ =	sdelay $0x3  }
0x97: {  	_ =	strace s4  }
0x98: {  	_ =	strace $0x8FFFFFFF  }
0x99: {  	s19 =	sld [smem:$0x3FDB];
	_ =	sdelay $0x1  }
0x9a: {  	s5 =	simm.s32 $_scs_section_size  }
0x9b: {  	s6 =	simm.s32 $_size__tile_overlayer_lowered;
	s7 =	simm.s32 $_tile_overlayer_lowered  }
0x9c: {  	s22 =	simm.s32 $0x1BFF;
	s21 =	sshll.u32 s7, $0x1;
	s4 =	sadd.s32 s5, s19  }
0x9d: {  	s8 =	simm.s32 $0x0;
	s20 =	sshll.u32 s6, $0x1;
	s6 =	sadd.s32 s21, s4  }
0x9e: {  	[timem:s8], [sflag:s22] =	dma.local [hbm:s6], s20  }
0x9f: {  	_ =	swait.ge [sflag:s22], s20  }
0xa0: {  	s5 =	ssub.s32 $0x0, s20;
	[sflag:s22] =	ssyncset.done $0x0  }
0xa1: {  	[sflag:s22] =	ssyncadd.s32 s5;
	_ =	sdelay $0x1  }
0xa2: {  	s23 =	simm.s32 $0x1B8B  }
0xa3: {  	_ =	swait.ge [sflag:s23], $0x1  }
0xa4: {  	[sflag:s23] =	ssyncset.done $0x0  }
0xa5: {  	s25 =	simm.s32 $0x1B8E;
	s24 =	sld [smem:$0x3FFE];
	[sflag:s23] =	ssyncadd.s32 $0xFFFFFFFF  }
0xa6: {  	s26 =	simm.s32 $execute0_lowered;
	[smem:$0x3FD2] =	sst s25  }
0xa7: {  	s6 =	sshll.u32 s26, $0x1;
	_ =	strace $0x80000046;
	[dreg:$0x1] =	wrdreg $0xFFFFFFFF  }
0xa8: {  	s28 =	simm.s32 $_size_execute0_lowered;
	s4 =	sadd.s32 s4, s6;
	[dreg:$0x0] =	wrdreg $0x0  }
0xa9: {  	s6 =	sshll.u32 s28, $0x1;
	[dreg:$0x2] =	wrdreg s4  }
0xaa: {  	[dreg:$0x3] =	wrdreg s6  }
0xab: {  	[dreg:$0x4] =	wrdreg $0xC0  }
0xac: {  	_ =	task [dreg:s8], $0x5FFFF  }
0xad: {  	[dreg:$0x1] =	wrdreg $0xFFFFFFFF  }
0xae: {  	[dreg:$0x0] =	wrdreg $0x60  }
0xaf: {  	[dreg:$0x2] =	wrdreg s24  }
0xb0: {  	[dreg:$0x3] =	wrdreg s2  }
0xb1: {  	[dreg:$0x4] =	wrdreg s18  }
0xb2: {  	[dreg:$0x5] =	wrdreg $0x9  }
0xb3: {  	_ =	task.clear_ibuf [dreg:s8], $0x6FFFF;
	_ =	strace $0x90000046  }
0xb4: {  	s29 =	simm.s32 $0x9;
	_ =	strace $0x80000048  }
0xb5: {  	_ =	swait.ge [sflag:s29], $0x1  }
0xb6: {  	[sflag:s29] =	ssyncadd.s32 $0xFFFFFFFF  }
0xb7: {  	_ =	strace $0x90000048  }
0xb8: {  	_ =	sfence  }
0xb9: {  	s30 =	sld [smem:$0x0];
	_ =	sdelay $0x2  }
0xba: {  	s31 =	sshll.u32 s1, $0xD;
	s1 =	sshrl.u32 s1, $0x2  }
0xbb: {  	s3 =	sand.u32 $0x4000, s31;
	s1 =	sadd.s32 s1, s30  }
0xbc: {  	s0 =	sor.u32 s3, s0;
	s1 =	sshll.u32 s1, $0x11  }
0xbd: {  	s0 =	sor.u32 s1, s0  }
0xbe: {  	s0 =	sadd.s32 $0x8F2B, s0  }
0xbf: {  	[sflag:s0] =	ssyncadd.remote.s32 $0x1  }
0xc0: {  	_ =	sfence.sel $0xFFFF  }
0xc1: {  	[dreg:$0x0] =	wrdreg $0xFFFFFFFF;
	(pc) =	sbr.abs _section_cstart, $3  }
0xc2: {  	[dreg:$0x1] =	wrdreg $0xFFFFFFFF  }
0xc3: {  	_ =	task.clear_ibuf [dreg:s8], $0x2FFFF;
	_ =	strace $0x9FFFFFFF  }
0xc4: {  	(tm) =	ssettm $0x7FFFFFFF  }
0xc5: {  	_ =	shalt  }
tec
execute0_lowered:
.L_overlay_start_1:
0x0: {  	(tag) =	ssettag $0x1  }
0x1: {  	s0 =	rddreg [dreg:$0x0]  }
0x2: {  	s2 =	rddreg [dreg:$0x1];
	s1 =	srdreg.scid  }
0x3: {  	s10 =	stileid.u32;
	s4 =	rddreg [dreg:$0x2];
	s3 =	simm.s32 $0x0  }
0x4: {  	s16 =	simm.s32 $0x32;
	s28 =	simm.s32 $0xBD00;
	s30 =	simm.s32 $0xD600  }
0x5: {  	s31 =	simm.s32 $0x15300;
	s29 =	simm.s32 $0x19E00;
	s11 =	simm.s32 $0x7  }
0x6: {  	s13 =	simm.s32 $0x0;
	s1 =	sand.u32 $0x1, s1;
	s5 =	sshll.u32 s10, $0x1  }
0x7: {  	[smem:$0x7FF] =	sst s3;
	s19 =	smul.u32 $0x32000, s10;
	s10 =	simm.s32 $0x4  }
0x8: {  	s5 =	sor.u32 s1, s5;
	s6 =	ssub.s32 $0x2, s1;
	s1 =	smul.u32 $0x19000, s1  }
0x9: {  	_ =	strace $0x80000047;
	s7 =	smul.u32 $0x19000, s5;
	s8 =	sshll.u32 s5, $0xB  }
0xa: {  	s9 =	sshrl.u32 s6, $0x1;
	s5 =	smul.u32 $0xC8000, s5;
	s0 =	sadd.s32 s8, s0  }
0xb: {  	s6 =	ssub.s32 s6, s9;
	s8 =	simm.s32 $0x3;
	s9 =	simm.s32 $0x6  }
0xc: {  	s0 =	sadd.s32 $0x400, s0;
	s7 =	sadd.s32 s4, s7;
	s17 =	sshrl.u32 s5, $0x3  }
0xd: {  	s26 =	smax.u32 s6, $0x1;
	s6 =	simm.s32 $0x2;
	[dreg:$0x4] =	wrdreg s0  }
0xe: {  	s5 =	simm.s32 $0x8;
	[dreg:$0x5] =	wrdreg s7;
	s18 =	sadd.s32 $0xC80, s7  }
0xf: {  	s0 =	sadd.s32 s4, s17;
	s4 =	sadd.s32 s19, s4;
	[dreg:$0xd] =	wrdreg s26  }
0x10: {  	s17 =	simm.s32 $0x4000;
	[dreg:$0x6] =	wrdreg s18;
	s20 =	sadd.s32 $0x1900, s0  }
0x11: {  	s19 =	simm.s32 $0x5900;
	s21 =	sadd.s32 $0x2580, s0;
	[dreg:$0x7] =	wrdreg s20  }
0x12: {  	s26 =	simm.s32 $0x13A00;
	s22 =	sadd.s32 $0x15E00, s0;
	[dreg:$0x8] =	wrdreg s21  }
0x13: {  	s7 =	simm.s32 $0x5;
	s23 =	sadd.s32 $0x16A80, s0;
	[dreg:$0x9] =	wrdreg s22  }
0x14: {  	s24 =	sadd.s32 $0x17700, s0;
	s0 =	sadd.s32 $0x18380, s0;
	[dreg:$0xa] =	wrdreg s23  }
0x15: {  	s25 =	sadd.s32 s1, s4;
	s1 =	simm.s32 $0xEF00;
	[dreg:$0xb] =	wrdreg s24  }
0x16: {  	s18 =	simm.s32 $0x10800;
	s4 =	simm.s32 $0x1B700;
	[dreg:$0xc] =	wrdreg s0  }
0x17: {  	s0 =	sadd.s32 $0x3200, s25;
	s21 =	simm.s32 $0x7200;
	s23 =	simm.s32 $0x8B00  }
0x18: {  	s25 =	simm.s32 $0xA400;
	s22 =	simm.s32 $0x12100;
	s24 =	simm.s32 $0x16C00  }
0x19: {  	s20 =	simm.s32 $0x18500;
	[dreg:$0xe] =	wrdreg s0;
	s0 =	simm.s32 $0x1  }
.LBB2_1:
0x1a: {  	[dreg:$0xf] =	wrdreg s13  }
0x1b: {  	s12 =	rddreg [dreg:$0x4];
	s15 =	simm.s32 $0x9  }
0x1c: {  	[tilespmem:s3], [sflag:$0x9] =	stream.linear.gather [hbm4b:s12+s3], $0x4000, $0x38;
	[tilespmem:$0x1D000] =	vst v63  }
0x1d: {  	_ =	swait.ge [sflag:s15], $0x4000  }
0x1e: {  	[sflag:s15] =	ssyncset.done $0x0  }
0x1f: {  	[sflag:s15] =	ssyncadd.s32 $0xFFFFC000  }
0x20: {  	[tilespmem:s17], [sflag:$0x1] =	stream.indirect.gather [hbm4b:s2+s16], $0x80, s3, s16, $0xb8;
	[tilespmem:$0x1D000] =	vst v63  }
0x21: {  	s13 =	simm.s32 $0x80  }
0x22: {  	[tilespmem:s19], [sflag:$0x1] =	stream.indirect.gather [hbm4b:s2+s16], $0x80, s13, s16, $0xb8;
	[tilespmem:$0x1D000] =	vst v63  }
0x23: {  	s14 =	simm.s32 $0x100  }
0x24: {  	[tilespmem:s21], [sflag:$0x1] =	stream.indirect.gather [hbm4b:s2+s16], $0x80, s14, s16, $0xb8;
	[tilespmem:$0x1D000] =	vst v63  }
0x25: {  	s15 =	simm.s32 $0x180  }
0x26: {  	[tilespmem:s23], [sflag:$0x1] =	stream.indirect.gather [hbm4b:s2+s16], $0x80, s15, s16, $0xb8;
	[tilespmem:$0x1D000] =	vst v63  }
0x27: {  	s13 =	simm.s32 $0x200  }
0x28: {  	[tilespmem:s25], [sflag:$0x2] =	stream.indirect.gather [hbm4b:s2+s16], $0x80, s13, s16, $0xb8;
	[tilespmem:$0x1D000] =	vst v63  }
0x29: {  	s14 =	simm.s32 $0x280  }
0x2a: {  	[tilespmem:s28], [sflag:$0x2] =	stream.indirect.gather [hbm4b:s2+s16], $0x80, s14, s16, $0xb8;
	[tilespmem:$0x1D000] =	vst v63  }
0x2b: {  	s15 =	simm.s32 $0x300  }
0x2c: {  	[tilespmem:s30], [sflag:$0x2] =	stream.indirect.gather [hbm4b:s2+s16], $0x80, s15, s16, $0xb8;
	[tilespmem:$0x1D000] =	vst v63  }
0x2d: {  	s13 =	simm.s32 $0x380  }
0x2e: {  	[tilespmem:s1], [sflag:$0x2] =	stream.indirect.gather [hbm4b:s2+s16], $0x80, s13, s16, $0xb8;
	[tilespmem:$0x1D000] =	vst v63  }
0x2f: {  	s14 =	simm.s32 $0x400  }
0x30: {  	[tilespmem:s18], [sflag:$0x3] =	stream.indirect.gather [hbm4b:s2+s16], $0x80, s14, s16, $0xb8;
	[tilespmem:$0x1D000] =	vst v63  }
0x31: {  	s15 =	simm.s32 $0x480  }
0x32: {  	[tilespmem:s22], [sflag:$0x3] =	stream.indirect.gather [hbm4b:s2+s16], $0x80, s15, s16, $0xb8;
	[tilespmem:$0x1D000] =	vst v63  }
0x33: {  	s13 =	simm.s32 $0x500  }
0x34: {  	[tilespmem:s26], [sflag:$0x3] =	stream.indirect.gather [hbm4b:s2+s16], $0x80, s13, s16, $0xb8;
	[tilespmem:$0x1D000] =	vst v63  }
0x35: {  	s14 =	simm.s32 $0x580  }
0x36: {  	[tilespmem:s31], [sflag:$0x3] =	stream.indirect.gather [hbm4b:s2+s16], $0x80, s14, s16, $0xb8;
	[tilespmem:$0x1D000] =	vst v63  }
0x37: {  	_ =	swait.ge [sflag:s0], $0x6400  }
0x38: {  	[sflag:s0] =	ssyncset.done $0x0  }
0x39: {  	s15 =	rddreg [dreg:$0x5];
	[sflag:s0] =	ssyncadd.s32 $0xFFFF9C00  }
0x3a: {  	[hbm4b:s15+s3] =	stream.linear.scatter [tilespmem:s17], [sflag:$0x5], $0x6400, $0x38;
	[tilespmem:$0x1D000] =	vst v63  }
0x3b: {  	s13 =	simm.s32 $0x600  }
0x3c: {  	[tilespmem:s24], [sflag:$0x4] =	stream.indirect.gather [hbm4b:s2+s16], $0x80, s13, s16, $0xb8;
	[tilespmem:$0x1D000] =	vst v63  }
0x3d: {  	s14 =	simm.s32 $0x680  }
0x3e: {  	[tilespmem:s20], [sflag:$0x4] =	stream.indirect.gather [hbm4b:s2+s16], $0x80, s14, s16, $0xb8;
	[tilespmem:$0x1D000] =	vst v63  }
0x3f: {  	s15 =	simm.s32 $0x700  }
0x40: {  	[tilespmem:s29], [sflag:$0x4] =	stream.indirect.gather [hbm4b:s2+s16], $0x80, s15, s16, $0xb8;
	[tilespmem:$0x1D000] =	vst v63  }
0x41: {  	s13 =	simm.s32 $0x780  }
0x42: {  	[tilespmem:s4], [sflag:$0x4] =	stream.indirect.gather [hbm4b:s2+s16], $0x80, s13, s16, $0xb8;
	[tilespmem:$0x1D000] =	vst v63  }
0x43: {  	_ =	swait.ge [sflag:s6], $0x6400  }
0x44: {  	[sflag:s6] =	ssyncset.done $0x0  }
0x45: {  	s14 =	rddreg [dreg:$0x6];
	[sflag:s6] =	ssyncadd.s32 $0xFFFF9C00  }
0x46: {  	[hbm4b:s14+s3] =	stream.linear.scatter [tilespmem:s25], [sflag:$0x6], $0x6400, $0x38;
	[tilespmem:$0x1D000] =	vst v63  }
0x47: {  	_ =	swait.ge [sflag:s7], $0x6400  }
0x48: {  	[sflag:s7] =	ssyncset.done $0x0  }
0x49: {  	s15 =	simm.s32 $0x800;
	[sflag:s7] =	ssyncadd.s32 $0xFFFF9C00  }
0x4a: {  	[tilespmem:s17], [sflag:$0x1] =	stream.indirect.gather [hbm4b:s2+s16], $0x80, s15, s16, $0xb8;
	[tilespmem:$0x1D000] =	vst v63  }
0x4b: {  	s13 =	simm.s32 $0x880  }
0x4c: {  	[tilespmem:s19], [sflag:$0x1] =	stream.indirect.gather [hbm4b:s2+s16], $0x80, s13, s16, $0xb8;
	[tilespmem:$0x1D000] =	vst v63  }
0x4d: {  	s14 =	simm.s32 $0x900  }
0x4e: {  	[tilespmem:s21], [sflag:$0x1] =	stream.indirect.gather [hbm4b:s2+s16], $0x80, s14, s16, $0xb8;
	[tilespmem:$0x1D000] =	vst v63  }
0x4f: {  	s15 =	simm.s32 $0x980  }
0x50: {  	[tilespmem:s23], [sflag:$0x1] =	stream.indirect.gather [hbm4b:s2+s16], $0x80, s15, s16, $0xb8;
	[tilespmem:$0x1D000] =	vst v63  }
0x51: {  	_ =	swait.ge [sflag:s8], $0x6400  }
0x52: {  	[sflag:s8] =	ssyncset.done $0x0  }
0x53: {  	s13 =	rddreg [dreg:$0x7];
	[sflag:s8] =	ssyncadd.s32 $0xFFFF9C00  }
0x54: {  	[hbm4b:s13+s3] =	stream.linear.scatter [tilespmem:s18], [sflag:$0x7], $0x6400, $0x38;
	[tilespmem:$0x1D000] =	vst v63  }
0x55: {  	_ =	swait.ge [sflag:s9], $0x6400  }
0x56: {  	[sflag:s9] =	ssyncset.done $0x0  }
0x57: {  	s14 =	simm.s32 $0xA00;
	[sflag:s9] =	ssyncadd.s32 $0xFFFF9C00  }
0x58: {  	[tilespmem:s25], [sflag:$0x2] =	stream.indirect.gather [hbm4b:s2+s16], $0x80, s14, s16, $0xb8;
	[tilespmem:$0x1D000] =	vst v63  }
0x59: {  	s15 =	simm.s32 $0xA80  }
0x5a: {  	[tilespmem:s28], [sflag:$0x2] =	stream.indirect.gather [hbm4b:s2+s16], $0x80, s15, s16, $0xb8;
	[tilespmem:$0x1D000] =	vst v63  }
0x5b: {  	s13 =	simm.s32 $0xB00  }
0x5c: {  	[tilespmem:s30], [sflag:$0x2] =	stream.indirect.gather [hbm4b:s2+s16], $0x80, s13, s16, $0xb8;
	[tilespmem:$0x1D000] =	vst v63  }
0x5d: {  	s14 =	simm.s32 $0xB80  }
0x5e: {  	[tilespmem:s1], [sflag:$0x2] =	stream.indirect.gather [hbm4b:s2+s16], $0x80, s14, s16, $0xb8;
	[tilespmem:$0x1D000] =	vst v63  }
0x5f: {  	_ =	swait.ge [sflag:s10], $0x6400  }
0x60: {  	[sflag:s10] =	ssyncset.done $0x0  }
0x61: {  	s15 =	rddreg [dreg:$0x8];
	[sflag:s10] =	ssyncadd.s32 $0xFFFF9C00  }
0x62: {  	[hbm4b:s15+s3] =	stream.linear.scatter [tilespmem:s24], [sflag:$0x8], $0x6400, $0x38;
	[tilespmem:$0x1D000] =	vst v63  }
0x63: {  	_ =	swait.ge [sflag:s11], $0x6400  }
0x64: {  	[sflag:s11] =	ssyncset.done $0x0  }
0x65: {  	s13 =	simm.s32 $0xC00;
	[sflag:s11] =	ssyncadd.s32 $0xFFFF9C00  }
0x66: {  	[tilespmem:s18], [sflag:$0x3] =	stream.indirect.gather [hbm4b:s2+s16], $0x80, s13, s16, $0xb8;
	[tilespmem:$0x1D000] =	vst v63  }
0x67: {  	s14 =	simm.s32 $0xC80  }
0x68: {  	[tilespmem:s22], [sflag:$0x3] =	stream.indirect.gather [hbm4b:s2+s16], $0x80, s14, s16, $0xb8;
	[tilespmem:$0x1D000] =	vst v63  }
0x69: {  	s15 =	simm.s32 $0xD00  }
0x6a: {  	[tilespmem:s26], [sflag:$0x3] =	stream.indirect.gather [hbm4b:s2+s16], $0x80, s15, s16, $0xb8;
	[tilespmem:$0x1D000] =	vst v63  }
0x6b: {  	s13 =	simm.s32 $0xD80  }
0x6c: {  	[tilespmem:s31], [sflag:$0x3] =	stream.indirect.gather [hbm4b:s2+s16], $0x80, s13, s16, $0xb8;
	[tilespmem:$0x1D000] =	vst v63  }
0x6d: {  	_ =	swait.ge [sflag:s0], $0x6400  }
0x6e: {  	[sflag:s0] =	ssyncset.done $0x0  }
0x6f: {  	s12 =	rddreg [dreg:$0xe];
	[sflag:s0] =	ssyncadd.s32 $0xFFFF9C00  }
0x70: {  	[hbm4b:s12+s3] =	stream.linear.scatter [tilespmem:s17], [sflag:$0x5], $0x6400, $0x38;
	[tilespmem:$0x1D000] =	vst v63  }
0x71: {  	_ =	swait.ge [sflag:s5], $0x6400  }
0x72: {  	[sflag:s5] =	ssyncset.done $0x0  }
0x73: {  	s14 =	simm.s32 $0xE00;
	[sflag:s5] =	ssyncadd.s32 $0xFFFF9C00  }
0x74: {  	[tilespmem:s24], [sflag:$0x4] =	stream.indirect.gather [hbm4b:s2+s16], $0x80, s14, s16, $0xb8;
	[tilespmem:$0x1D000] =	vst v63  }
0x75: {  	s15 =	simm.s32 $0xE80  }
0x76: {  	[tilespmem:s20], [sflag:$0x4] =	stream.indirect.gather [hbm4b:s2+s16], $0x80, s15, s16, $0xb8;
	[tilespmem:$0x1D000] =	vst v63  }
0x77: {  	s14 =	simm.s32 $0xF00  }
0x78: {  	[tilespmem:s29], [sflag:$0x4] =	stream.indirect.gather [hbm4b:s2+s16], $0x80, s14, s16, $0xb8;
	[tilespmem:$0x1D000] =	vst v63  }
0x79: {  	s15 =	simm.s32 $0xF80  }
0x7a: {  	[tilespmem:s4], [sflag:$0x4] =	stream.indirect.gather [hbm4b:s2+s16], $0x80, s15, s16, $0xb8;
	[tilespmem:$0x1D000] =	vst v63  }
0x7b: {  	_ =	swait.ge [sflag:s6], $0x6400  }
0x7c: {  	[sflag:s6] =	ssyncset.done $0x0  }
0x7d: {  	s14 =	sadd.s32 $0xC80, s12;
	[sflag:s6] =	ssyncadd.s32 $0xFFFF9C00  }
0x7e: {  	[hbm4b:s14+s3] =	stream.linear.scatter [tilespmem:s25], [sflag:$0x6], $0x6400, $0x38;
	[tilespmem:$0x1D000] =	vst v63  }
0x7f: {  	_ =	swait.ge [sflag:s7], $0x6400  }
0x80: {  	[sflag:s7] =	ssyncset.done $0x0  }
0x81: {  	s15 =	simm.s32 $0x1000;
	[sflag:s7] =	ssyncadd.s32 $0xFFFF9C00  }
0x82: {  	[tilespmem:s17], [sflag:$0x1] =	stream.indirect.gather [hbm4b:s2+s16], $0x80, s15, s16, $0xb8;
	[tilespmem:$0x1D000] =	vst v63  }
0x83: {  	s14 =	simm.s32 $0x1080  }
0x84: {  	[tilespmem:s19], [sflag:$0x1] =	stream.indirect.gather [hbm4b:s2+s16], $0x80, s14, s16, $0xb8;
	[tilespmem:$0x1D000] =	vst v63  }
0x85: {  	s15 =	simm.s32 $0x1100  }
0x86: {  	[tilespmem:s21], [sflag:$0x1] =	stream.indirect.gather [hbm4b:s2+s16], $0x80, s15, s16, $0xb8;
	[tilespmem:$0x1D000] =	vst v63  }
0x87: {  	s14 =	simm.s32 $0x1180  }
0x88: {  	[tilespmem:s23], [sflag:$0x1] =	stream.indirect.gather [hbm4b:s2+s16], $0x80, s14, s16, $0xb8;
	[tilespmem:$0x1D000] =	vst v63  }
0x89: {  	_ =	swait.ge [sflag:s8], $0x6400  }
0x8a: {  	[sflag:s8] =	ssyncset.done $0x0  }
0x8b: {  	s15 =	sadd.s32 $0x1900, s12;
	[sflag:s8] =	ssyncadd.s32 $0xFFFF9C00  }
0x8c: {  	[hbm4b:s15+s3] =	stream.linear.scatter [tilespmem:s18], [sflag:$0x7], $0x6400, $0x38;
	[tilespmem:$0x1D000] =	vst v63  }
0x8d: {  	_ =	swait.ge [sflag:s9], $0x6400  }
0x8e: {  	[sflag:s9] =	ssyncset.done $0x0  }
0x8f: {  	s14 =	simm.s32 $0x1200;
	[sflag:s9] =	ssyncadd.s32 $0xFFFF9C00  }
0x90: {  	[tilespmem:s25], [sflag:$0x2] =	stream.indirect.gather [hbm4b:s2+s16], $0x80, s14, s16, $0xb8;
	[tilespmem:$0x1D000] =	vst v63  }
0x91: {  	s15 =	simm.s32 $0x1280  }
0x92: {  	[tilespmem:s28], [sflag:$0x2] =	stream.indirect.gather [hbm4b:s2+s16], $0x80, s15, s16, $0xb8;
	[tilespmem:$0x1D000] =	vst v63  }
0x93: {  	s14 =	simm.s32 $0x1300  }
0x94: {  	[tilespmem:s30], [sflag:$0x2] =	stream.indirect.gather [hbm4b:s2+s16], $0x80, s14, s16, $0xb8;
	[tilespmem:$0x1D000] =	vst v63  }
0x95: {  	s15 =	simm.s32 $0x1380  }
0x96: {  	[tilespmem:s1], [sflag:$0x2] =	stream.indirect.gather [hbm4b:s2+s16], $0x80, s15, s16, $0xb8;
	[tilespmem:$0x1D000] =	vst v63  }
0x97: {  	_ =	swait.ge [sflag:s10], $0x6400  }
0x98: {  	[sflag:s10] =	ssyncset.done $0x0  }
0x99: {  	s14 =	sadd.s32 $0x2580, s12;
	[sflag:s10] =	ssyncadd.s32 $0xFFFF9C00  }
0x9a: {  	[hbm4b:s14+s3] =	stream.linear.scatter [tilespmem:s24], [sflag:$0x8], $0x6400, $0x38;
	[tilespmem:$0x1D000] =	vst v63  }
0x9b: {  	_ =	swait.ge [sflag:s11], $0x6400  }
0x9c: {  	[sflag:s11] =	ssyncset.done $0x0  }
0x9d: {  	s15 =	simm.s32 $0x1400;
	[sflag:s11] =	ssyncadd.s32 $0xFFFF9C00  }
0x9e: {  	[tilespmem:s18], [sflag:$0x3] =	stream.indirect.gather [hbm4b:s2+s16], $0x80, s15, s16, $0xb8;
	[tilespmem:$0x1D000] =	vst v63  }
0x9f: {  	s14 =	simm.s32 $0x1480  }
0xa0: {  	[tilespmem:s22], [sflag:$0x3] =	stream.indirect.gather [hbm4b:s2+s16], $0x80, s14, s16, $0xb8;
	[tilespmem:$0x1D000] =	vst v63  }
0xa1: {  	s15 =	simm.s32 $0x1500  }
0xa2: {  	[tilespmem:s26], [sflag:$0x3] =	stream.indirect.gather [hbm4b:s2+s16], $0x80, s15, s16, $0xb8;
	[tilespmem:$0x1D000] =	vst v63  }
0xa3: {  	s13 =	simm.s32 $0x2000;
	s14 =	simm.s32 $0x1580;
	s15 =	sadd.s32 $0x3200, s12  }
.LBB2_2:
0xa4: {  	[tilespmem:s31], [sflag:$0x3] =	stream.indirect.gather [hbm4b:s2+s16], $0x80, s14, s16, $0xb8;
	[tilespmem:$0x1D000] =	vst v63  }
0xa5: {  	s14 =	smov.u32 s13  }
0xa6: {  	p0 =	sne.s32 s13, $0xA000;
	s13 =	sadd.s32 $0x2000, s13;
	_ =	swait.ge [sflag:s0], $0x6400  }
0xa7: {  	[sflag:s0] =	ssyncset.done $0x0  }
0xa8: {  	[sflag:s0] =	ssyncadd.s32 $0xFFFF9C00  }
0xa9: {  	[hbm4b:s15+s3] =	stream.linear.scatter [tilespmem:s17], [sflag:$0x5], $0x6400, $0x38;
	[tilespmem:$0x1D000] =	vst v63  }
0xaa: {  	_ =	swait.ge [sflag:s5], $0x6400  }
0xab: {  	s14 =	sshra.s32 s14, $0x2;
	[sflag:s5] =	ssyncset.done $0x0  }
0xac: {  	s12 =	sadd.s32 $0xE00, s14;
	[sflag:s5] =	ssyncadd.s32 $0xFFFF9C00  }
0xad: {  	[tilespmem:s24], [sflag:$0x4] =	stream.indirect.gather [hbm4b:s2+s16], $0x80, s12, s16, $0xb8;
	[tilespmem:$0x1D000] =	vst v63  }
0xae: {  	s12 =	sadd.s32 $0xE80, s14  }
0xaf: {  	[tilespmem:s20], [sflag:$0x4] =	stream.indirect.gather [hbm4b:s2+s16], $0x80, s12, s16, $0xb8;
	[tilespmem:$0x1D000] =	vst v63  }
0xb0: {  	s12 =	sadd.s32 $0xF00, s14  }
0xb1: {  	[tilespmem:s29], [sflag:$0x4] =	stream.indirect.gather [hbm4b:s2+s16], $0x80, s12, s16, $0xb8;
	[tilespmem:$0x1D000] =	vst v63  }
0xb2: {  	s12 =	sadd.s32 $0xF80, s14  }
0xb3: {  	[tilespmem:s4], [sflag:$0x4] =	stream.indirect.gather [hbm4b:s2+s16], $0x80, s12, s16, $0xb8;
	[tilespmem:$0x1D000] =	vst v63  }
0xb4: {  	_ =	swait.ge [sflag:s6], $0x6400  }
0xb5: {  	[sflag:s6] =	ssyncset.done $0x0  }
0xb6: {  	s12 =	sadd.s32 $0xC80, s15;
	[sflag:s6] =	ssyncadd.s32 $0xFFFF9C00  }
0xb7: {  	[hbm4b:s12+s3] =	stream.linear.scatter [tilespmem:s25], [sflag:$0x6], $0x6400, $0x38;
	[tilespmem:$0x1D000] =	vst v63  }
0xb8: {  	_ =	swait.ge [sflag:s7], $0x6400  }
0xb9: {  	[sflag:s7] =	ssyncset.done $0x0  }
0xba: {  	s12 =	sadd.s32 $0x1000, s14;
	[sflag:s7] =	ssyncadd.s32 $0xFFFF9C00  }
0xbb: {  	[tilespmem:s17], [sflag:$0x1] =	stream.indirect.gather [hbm4b:s2+s16], $0x80, s12, s16, $0xb8;
	[tilespmem:$0x1D000] =	vst v63  }
0xbc: {  	s12 =	sadd.s32 $0x1080, s14  }
0xbd: {  	[tilespmem:s19], [sflag:$0x1] =	stream.indirect.gather [hbm4b:s2+s16], $0x80, s12, s16, $0xb8;
	[tilespmem:$0x1D000] =	vst v63  }
0xbe: {  	s12 =	sadd.s32 $0x1100, s14  }
0xbf: {  	[tilespmem:s21], [sflag:$0x1] =	stream.indirect.gather [hbm4b:s2+s16], $0x80, s12, s16, $0xb8;
	[tilespmem:$0x1D000] =	vst v63  }
0xc0: {  	s12 =	sadd.s32 $0x1180, s14  }
0xc1: {  	[tilespmem:s23], [sflag:$0x1] =	stream.indirect.gather [hbm4b:s2+s16], $0x80, s12, s16, $0xb8;
	[tilespmem:$0x1D000] =	vst v63  }
0xc2: {  	_ =	swait.ge [sflag:s8], $0x6400  }
0xc3: {  	[sflag:s8] =	ssyncset.done $0x0  }
0xc4: {  	s12 =	sadd.s32 $0x1900, s15;
	[sflag:s8] =	ssyncadd.s32 $0xFFFF9C00  }
0xc5: {  	[hbm4b:s12+s3] =	stream.linear.scatter [tilespmem:s18], [sflag:$0x7], $0x6400, $0x38;
	[tilespmem:$0x1D000] =	vst v63  }
0xc6: {  	_ =	swait.ge [sflag:s9], $0x6400  }
0xc7: {  	[sflag:s9] =	ssyncset.done $0x0  }
0xc8: {  	s12 =	sadd.s32 $0x1200, s14;
	[sflag:s9] =	ssyncadd.s32 $0xFFFF9C00  }
0xc9: {  	[tilespmem:s25], [sflag:$0x2] =	stream.indirect.gather [hbm4b:s2+s16], $0x80, s12, s16, $0xb8;
	[tilespmem:$0x1D000] =	vst v63  }
0xca: {  	s12 =	sadd.s32 $0x1280, s14  }
0xcb: {  	[tilespmem:s28], [sflag:$0x2] =	stream.indirect.gather [hbm4b:s2+s16], $0x80, s12, s16, $0xb8;
	[tilespmem:$0x1D000] =	vst v63  }
0xcc: {  	s12 =	sadd.s32 $0x1300, s14  }
0xcd: {  	[tilespmem:s30], [sflag:$0x2] =	stream.indirect.gather [hbm4b:s2+s16], $0x80, s12, s16, $0xb8;
	[tilespmem:$0x1D000] =	vst v63  }
0xce: {  	s12 =	sadd.s32 $0x1380, s14  }
0xcf: {  	[tilespmem:s1], [sflag:$0x2] =	stream.indirect.gather [hbm4b:s2+s16], $0x80, s12, s16, $0xb8;
	[tilespmem:$0x1D000] =	vst v63  }
0xd0: {  	_ =	swait.ge [sflag:s10], $0x6400  }
0xd1: {  	[sflag:s10] =	ssyncset.done $0x0  }
0xd2: {  	s12 =	sadd.s32 $0x2580, s15;
	[sflag:s10] =	ssyncadd.s32 $0xFFFF9C00  }
0xd3: {  	[hbm4b:s12+s3] =	stream.linear.scatter [tilespmem:s24], [sflag:$0x8], $0x6400, $0x38;
	[tilespmem:$0x1D000] =	vst v63  }
0xd4: {  	_ =	swait.ge [sflag:s11], $0x6400  }
0xd5: {  	[sflag:s11] =	ssyncset.done $0x0  }
0xd6: {  	s12 =	sadd.s32 $0x1400, s14;
	[sflag:s11] =	ssyncadd.s32 $0xFFFF9C00  }
0xd7: {  	[tilespmem:s18], [sflag:$0x3] =	stream.indirect.gather [hbm4b:s2+s16], $0x80, s12, s16, $0xb8;
	[tilespmem:$0x1D000] =	vst v63  }
.Ltmp0:
0xd8: {  	s12 =	sadd.s32 $0x1480, s14;
	(pc) =	sbr.rel @p0 .LBB2_2-.Ltmp0, $4  }
0xd9: {  	[tilespmem:s22], [sflag:$0x3] =	stream.indirect.gather [hbm4b:s2+s16], $0x80, s12, s16, $0xb8;
	[tilespmem:$0x1D000] =	vst v63  }
0xda: {  	s12 =	sadd.s32 $0x1500, s14  }
0xdb: {  	[tilespmem:s26], [sflag:$0x3] =	stream.indirect.gather [hbm4b:s2+s16], $0x80, s12, s16, $0xb8;
	[tilespmem:$0x1D000] =	vst v63  }
0xdc: {  	s15 =	sadd.s32 $0x3200, s15;
	s14 =	sadd.s32 $0x1580, s14  }
0xdd: {  	[tilespmem:s31], [sflag:$0x3] =	stream.indirect.gather [hbm4b:s2+s16], $0x80, s14, s16, $0xb8;
	[tilespmem:$0x1D000] =	vst v63  }
0xde: {  	_ =	swait.ge [sflag:s0], $0x6400  }
0xdf: {  	[sflag:s0] =	ssyncset.done $0x0  }
0xe0: {  	s12 =	rddreg [dreg:$0x9];
	[sflag:s0] =	ssyncadd.s32 $0xFFFF9C00  }
0xe1: {  	[hbm4b:s12+s3] =	stream.linear.scatter [tilespmem:s17], [sflag:$0x5], $0x6400, $0x38;
	[tilespmem:$0x1D000] =	vst v63  }
0xe2: {  	_ =	swait.ge [sflag:s5], $0x6400  }
0xe3: {  	[sflag:s5] =	ssyncset.done $0x0  }
0xe4: {  	s14 =	simm.s32 $0x3E00;
	[sflag:s5] =	ssyncadd.s32 $0xFFFF9C00  }
0xe5: {  	[tilespmem:s24], [sflag:$0x4] =	stream.indirect.gather [hbm4b:s2+s16], $0x80, s14, s16, $0xb8;
	[tilespmem:$0x1D000] =	vst v63  }
0xe6: {  	s15 =	simm.s32 $0x3E80  }
0xe7: {  	[tilespmem:s20], [sflag:$0x4] =	stream.indirect.gather [hbm4b:s2+s16], $0x80, s15, s16, $0xb8;
	[tilespmem:$0x1D000] =	vst v63  }
0xe8: {  	s13 =	simm.s32 $0x3F00  }
0xe9: {  	[tilespmem:s29], [sflag:$0x4] =	stream.indirect.gather [hbm4b:s2+s16], $0x80, s13, s16, $0xb8;
	[tilespmem:$0x1D000] =	vst v63  }
0xea: {  	s14 =	simm.s32 $0x3F80  }
0xeb: {  	[tilespmem:s4], [sflag:$0x4] =	stream.indirect.gather [hbm4b:s2+s16], $0x80, s14, s16, $0xb8;
	[tilespmem:$0x1D000] =	vst v63  }
0xec: {  	_ =	swait.ge [sflag:s6], $0x6400  }
0xed: {  	[sflag:s6] =	ssyncset.done $0x0  }
0xee: {  	s15 =	rddreg [dreg:$0xa];
	[sflag:s6] =	ssyncadd.s32 $0xFFFF9C00  }
0xef: {  	[hbm4b:s15+s3] =	stream.linear.scatter [tilespmem:s25], [sflag:$0x6], $0x6400, $0x38;
	[tilespmem:$0x1D000] =	vst v63  }
0xf0: {  	_ =	swait.ge [sflag:s8], $0x6400  }
0xf1: {  	[sflag:s8] =	ssyncset.done $0x0  }
0xf2: {  	s13 =	rddreg [dreg:$0xb];
	[sflag:s8] =	ssyncadd.s32 $0xFFFF9C00  }
0xf3: {  	[hbm4b:s13+s3] =	stream.linear.scatter [tilespmem:s18], [sflag:$0x7], $0x6400, $0x38;
	[tilespmem:$0x1D000] =	vst v63  }
0xf4: {  	_ =	swait.ge [sflag:s10], $0x6400  }
0xf5: {  	[sflag:s10] =	ssyncset.done $0x0  }
0xf6: {  	s14 =	rddreg [dreg:$0xc];
	[sflag:s10] =	ssyncadd.s32 $0xFFFF9C00  }
0xf7: {  	[hbm4b:s14+s3] =	stream.linear.scatter [tilespmem:s24], [sflag:$0x8], $0x6400, $0x38;
	[tilespmem:$0x1D000] =	vst v63  }
0xf8: {  	_ =	swait.ge [sflag:s7], $0x6400  }
0xf9: {  	[sflag:s7] =	ssyncset.done $0x0  }
0xfa: {  	[sflag:s7] =	ssyncadd.s32 $0xFFFF9C00  }
0xfb: {  	_ =	swait.ge [sflag:s9], $0x6400  }
0xfc: {  	[sflag:s9] =	ssyncset.done $0x0  }
0xfd: {  	[sflag:s9] =	ssyncadd.s32 $0xFFFF9C00  }
0xfe: {  	_ =	swait.ge [sflag:s11], $0x6400  }
0xff: {  	[sflag:s11] =	ssyncset.done $0x0  }
0x100: {  	[sflag:s11] =	ssyncadd.s32 $0xFFFF9C00  }
0x101: {  	_ =	swait.ge [sflag:s5], $0x6400  }
0x102: {  	s13 =	rddreg [dreg:$0xf]  }
0x103: {  	s15 =	rddreg [dreg:$0xd];
	s13 =	sadd.s32 $0x1, s13  }
0x104: {  	p0 =	sne.s32 s13, s15  }
.Ltmp1:
0x105: {  	_ = 	snop;
	(pc) =	sbr.rel @p0 .LBB2_1-.Ltmp1, $3  }
0x106: {  	_ =	sdelay $0x1  }
0x107: {  	[sflag:s5] =	ssyncset.done $0x0  }
0x108: {  	[sflag:s5] =	ssyncadd.s32 $0xFFFF9C00  }
0x109: {  	_ =	sfence.sel $0x180000  }
0x10a: {  	[bflag:$0x0] =	sbarrier.arrive $0xFFFF  }
0x10b: {  	_ =	strace $0x90000047  }
0x10c: {  	s0 =	stileid.u32;
	[bflag:$0x2] =	sbarrier.arrive $0xFFFF  }
0x10d: {  	p0 =	sne.s32 s0, $0x0;
	s0 =	rddreg [dreg:$0x3]  }
0x10e: {  	s0 =	sadd.s32 @!p0 $0x100000, s0  }
0x10f: {  	[sflag:s0] =	ssyncadd.tile.s32 @!p0 $0x1;
	_ =	shalt  }
.Lfunc_end2:
_tile_overlayer_lowered:
.L_overlay_start_2:
0x110: {  	(tag) =	ssettag $0x2  }
0x111: {  	s0 =	rddreg [dreg:$0x0];
	s2 =	stileid.u32  }
0x112: {  	s1 =	rddreg [dreg:$0x1];
	p0 =	sne.s32 s2, $0x0  }
0x113: {  	s3 =	rddreg [dreg:$0x2];
	[bflag:$0x3] =	sbarrier.arrive $0xFFFF;
	s2 =	simm.s32 @!p0 $0x1C09  }
0x114: {  	[timem:s3], [sflag:s2] =	dma.local @!p0 [hbm:s0], s1  }
0x115: {  	s0 =	simm.s32 @!p0 $0x9  }
0x116: {  	_ =	swait.ge @!p0 [sflag:s0], s1  }
0x117: {  	s1 =	ssub.s32 @!p0 $0x0, s1;
	[sflag:s0] =	ssyncset.done @!p0 $0x0  }
0x118: {  	[sflag:s0] =	ssyncadd.s32 @!p0 s1  }
0x119: {  	[bflag:$0x3] =	sbarrier.arrive $0xFFFF  }
0x11a: {  	_ =	shalt  }

</sc_bundles>
